<compile_context>
chip_gen: v7x
topology: tpu7x:2x2x1
jax: 0.10.2.dev20260603
libtpu: 0.0.44.dev20260713+nightly
codegen_flags: <defaults>
</compile_context>

<pallas_src>
import functools

import jax
import jax.numpy as jnp
from jax import lax
from jax.experimental import pallas as pl
from jax.experimental.pallas import tpu as pltpu
from jax.experimental.pallas import tpu_sc as plsc

_SEQ = 256
_NG = 5
_NH = 32
_LANES = 16
_SUBCORES = 16


@jax.jit
def _fg_bias_sc(bias_matrix, g):
    mesh = plsc.VectorSubcoreMesh(core_axis_name="c", subcore_axis_name="s")

    @functools.partial(
        pl.kernel,
        mesh=mesh,
        out_type=jax.ShapeDtypeStruct((_NH, 512, 128), jnp.float32),
        compiler_params=pltpu.CompilerParams(
            use_tc_tiling_on_sc=False, needs_layout_passes=False, skip_device_barrier=True
        ),
        scratch_types=[
            pltpu.VMEM((_NH, _NG, _NG), jnp.float32),
            pltpu.VMEM((_SEQ + _LANES,), jnp.int32),
            pltpu.VMEM((16, 128), jnp.float32),
            pltpu.VMEM((4, 128), jnp.int32),
            pltpu.VMEM((512, 128), jnp.float32),
            pltpu.VMEM_SHARED((_SUBCORES * 16, 128), jnp.float32),
            [pltpu.SemaphoreType.DMA] * 4,
            [pltpu.SemaphoreType.DMA] * 4,
        ],
    )
    def k(b_hbm, g_hbm, out_hbm, b_v, g_v, tmp_v, idx_v, out_v, tbl_sh, gsem, wsem):
        c = lax.axis_index("c")
        s = lax.axis_index("s")
        h = c * _SUBCORES + s
        pltpu.sync_copy(g_hbm, g_v.at[pl.ds(0, _SEQ)])
        pltpu.sync_copy(b_hbm, b_v)

        h_splat = jnp.full((_LANES,), h, dtype=jnp.int32)
        for a in range(_NG):
            a_splat = jnp.full((_LANES,), a, dtype=jnp.int32)
            for ch in range(_SEQ // _LANES):
                gj = g_v[pl.ds(ch * _LANES, _LANES)]
                jt, jc = divmod(ch * _LANES, 128)
                tmp_v[a * 2 + jt, pl.ds(jc, _LANES)] = plsc.load_gather(
                    b_v, [h_splat, a_splat, gj]
                )

        pltpu.sync_copy(tmp_v, tbl_sh.at[pl.ds(s * 16, 16)])

        lane = jnp.arange(_LANES, dtype=jnp.int32)
        perm = lane % 8
        jtvec = lane // 8
        for it in range(32):
            gchunk = g_v[pl.ds(it * 8, _LANES)]
            gdup = lax.gather(
                gchunk,
                perm[:, None],
                lax.GatherDimensionNumbers(
                    offset_dims=(),
                    collapsed_slice_dims=(0,),
                    start_index_map=(0,),
                ),
                (1,),
                mode=lax.GatherScatterMode.PROMISE_IN_BOUNDS,
            )
            vals = gdup * 2 + jtvec + s * 16
            r, off = divmod(it * _LANES, 128)
            idx_v[r, pl.ds(off, _LANES)] = vals


        ob = out_hbm.at[h]
        gcp = [
            pltpu.async_copy(
                tbl_sh.at[idx_v.at[t]], out_v.at[pl.ds(t * 128, 128)], gsem[t]
            )
            for t in range(4)
        ]
        wcp = []
        for t in range(4):
            gcp[t].wait()
            wcp.append(
                pltpu.async_copy(
                    out_v.at[pl.ds(t * 128, 128)], ob.at[pl.ds(t * 128, 128)], wsem[t]
                )
            )
        for c2 in wcp:
            c2.wait()

    out = k(bias_matrix, g)
    return (
        out.reshape(_NH, 32, 2, 8, 128)
        .transpose(0, 1, 3, 2, 4)
        .reshape(_NH, _SEQ, _SEQ)
    )


def kernel(bias_matrix, group_assignment):
    return _fg_bias_sc(bias_matrix, group_assignment)

# --- scband reference (transcript-rebuilt; emitter-appended) ---
"""Pipeline reference for scband-feature-group-bias-42494406426703 (READ-ONLY COPY).

The authoritative reference and input builder live on the scoring server;
editing this copy changes nothing except your own understanding.
"""

import jax, jax.numpy as jnp
import numpy as np

SEQ_LEN = 256
N_GROUPS = 5
N_HEADS = 32


def setup_inputs(seed: int = 0) -> dict:
    key = jax.random.key(seed)
    # group_assignment: cyclic 0..4 pattern of length 256, matching init_kwargs
    group_assignment = jnp.asarray(np.tile(np.arange(N_GROUPS), SEQ_LEN // N_GROUPS + 1)[:SEQ_LEN], dtype=jnp.int32)
    # learned parameter: per-head bias matrix (zeros at init in the module; use
    # random values so the gather output is non-trivial)
    bias_matrix = jax.random.normal(key, (N_HEADS, N_GROUPS, N_GROUPS), dtype=jnp.float32) * 0.02
    return {"bias_matrix": bias_matrix, "group_assignment": group_assignment}


def reference(bias_matrix, group_assignment):
    # per_head mode: bias_matrix[:, g.unsqueeze(-1), g.unsqueeze(0)]
    g = group_assignment
    out = bias_matrix[:, g[:, None], g[None, :]]  # (n_heads, seq_len, seq_len)
    return out

if __name__ == "__main__":
    import jax
    _d = setup_inputs()
    print(jax.jit(kernel)(*tuple(_d.values())))

</pallas_src>

<mosaic_0001>
#map = affine_map<(d0, d1) -> (0, 0, 0)>
#map1 = affine_map<(d0, d1) -> (0)>
module attributes {stable_mosaic.version = 14 : i64} {
  func.func @k(%arg0: i32, %arg1: i32, %arg2: memref<32x5x5xf32, #tpu.memory_space<hbm>>, %arg3: memref<256xi32, #tpu.memory_space<hbm>>, %arg4: memref<32x512x128xf32, #tpu.memory_space<hbm>>, %arg5: memref<32x5x5xf32, #tpu.memory_space<vmem>>, %arg6: memref<272xi32, #tpu.memory_space<vmem>>, %arg7: memref<16x128xf32, #tpu.memory_space<vmem>>, %arg8: memref<4x128xi32, #tpu.memory_space<vmem>>, %arg9: memref<512x128xf32, #tpu.memory_space<vmem>>, %arg10: memref<256x128xf32, #tpu.memory_space<vmem_shared>>, %arg11: memref<!tpu.dma_semaphore, #tpu.memory_space<semaphore_mem>>, %arg12: memref<!tpu.dma_semaphore, #tpu.memory_space<semaphore_mem>>, %arg13: memref<!tpu.dma_semaphore, #tpu.memory_space<semaphore_mem>>, %arg14: memref<!tpu.dma_semaphore, #tpu.memory_space<semaphore_mem>>, %arg15: memref<!tpu.dma_semaphore, #tpu.memory_space<semaphore_mem>>, %arg16: memref<!tpu.dma_semaphore, #tpu.memory_space<semaphore_mem>>, %arg17: memref<!tpu.dma_semaphore, #tpu.memory_space<semaphore_mem>>, %arg18: memref<!tpu.dma_semaphore, #tpu.memory_space<semaphore_mem>>) attributes {dimension_semantics = [#tpu.dimension_semantics<core_parallel>, #tpu.dimension_semantics<subcore_parallel>], iteration_bounds = array<i64: 2, 16>, scalar_prefetch = 0 : i64, scratch_operands = 14 : i64, tpu.core_type = #tpu.core_type<sc_vector_subcore>, window_params = [{transform_indices = #map}, {transform_indices = #map1}, {transform_indices = #map}]} {
    %mul3A = arith.constant 16 : i32
    %mul3A_0 = arith.muli %arg0, %mul3A : i32
    %add3A = arith.addi %mul3A_0, %arg1 : i32
    "tpu.region"() ({
      %run_scoped3A = tpu.sem_alloc : memref<!tpu.dma_semaphore, #tpu.memory_space<semaphore_mem>>
      %dma_start3A_1395 = arith.constant 0 : i32
      %dma_start3A_1396 = tpu.memref_slice %arg6[%dma_start3A_1395] : memref<272xi32, #tpu.memory_space<vmem>> -> memref<256xi32, #tpu.memory_space<vmem>>
      %dma_start3A_1397 = arith.constant 0 : i32
      %dma_start3A_1398 = tpu.memref_slice %arg6[%dma_start3A_1397] : memref<272xi32, #tpu.memory_space<vmem>> -> memref<256xi32, #tpu.memory_space<vmem>>
      tpu.enqueue_dma source(%arg3 : memref<256xi32, #tpu.memory_space<hbm>>) target(%dma_start3A_1398 : memref<256xi32, #tpu.memory_space<vmem>>) target_semaphore(%run_scoped3A : memref<!tpu.dma_semaphore, #tpu.memory_space<semaphore_mem>>)
      %dma_wait3A_1399 = arith.constant 0 : i32
      %dma_wait3A_1400 = tpu.memref_slice %arg6[%dma_wait3A_1399] : memref<272xi32, #tpu.memory_space<vmem>> -> memref<256xi32, #tpu.memory_space<vmem>>
      %dma_wait3A_1401 = arith.constant 0 : i32
      %dma_wait3A_1402 = tpu.memref_slice %arg6[%dma_wait3A_1401] : memref<272xi32, #tpu.memory_space<vmem>> -> memref<256xi32, #tpu.memory_space<vmem>>
      tpu.wait_dma2 semaphore(%run_scoped3A : memref<!tpu.dma_semaphore, #tpu.memory_space<semaphore_mem>>) src(%arg3 : memref<256xi32, #tpu.memory_space<hbm>>) dst(%dma_wait3A_1402 : memref<256xi32, #tpu.memory_space<vmem>>)
      tpu.yield
    }) : () -> ()
    "tpu.region"() ({
      %run_scoped3A = tpu.sem_alloc : memref<!tpu.dma_semaphore, #tpu.memory_space<semaphore_mem>>
      tpu.enqueue_dma source(%arg2 : memref<32x5x5xf32, #tpu.memory_space<hbm>>) target(%arg5 : memref<32x5x5xf32, #tpu.memory_space<vmem>>) target_semaphore(%run_scoped3A : memref<!tpu.dma_semaphore, #tpu.memory_space<semaphore_mem>>)
      tpu.wait_dma2 semaphore(%run_scoped3A : memref<!tpu.dma_semaphore, #tpu.memory_space<semaphore_mem>>) src(%arg2 : memref<32x5x5xf32, #tpu.memory_space<hbm>>) dst(%arg5 : memref<32x5x5xf32, #tpu.memory_space<vmem>>)
      tpu.yield
    }) : () -> ()
    %broadcast_in_dim3A = vector.broadcast %add3A : i32 to vector<16xi32>
    %broadcast_in_dim3A_1 = arith.constant 0 : i32
    %broadcast_in_dim3A_2 = vector.broadcast %broadcast_in_dim3A_1 : i32 to vector<16xi32>
    %get3A = arith.constant 0 : index
    %get3A_3 = tpu.vector_load %arg6[%get3A] {strides = array<i32>} : memref<272xi32, #tpu.memory_space<vmem>>, vector<16xi32>,
    %gather3A = tpu.vector_load_idx %arg5[%broadcast_in_dim3A, %broadcast_in_dim3A_2, %get3A_3] : memref<32x5x5xf32, #tpu.memory_space<vmem>>[vector<16xi32>, vector<16xi32>, vector<16xi32>], vector<16xf32>,
    %swap3A = arith.constant 0 : i32
    %swap3A_4 = arith.index_cast %swap3A : i32 to index
    %swap3A_5 = arith.constant 0 : index
    %swap3A_6 = tpu.vector_load %arg7[%swap3A_4, %swap3A_5] {strides = array<i32>} : memref<16x128xf32, #tpu.memory_space<vmem>>, vector<16xf32>,
    tpu.vector_store %arg7[%swap3A_4, %swap3A_5], %gather3A {strides = array<i32>} : memref<16x128xf32, #tpu.memory_space<vmem>>, vector<16xf32>,
    %get3A_7 = arith.constant 16 : index
    %get3A_8 = tpu.vector_load %arg6[%get3A_7] {strides = array<i32>} : memref<272xi32, #tpu.memory_space<vmem>>, vector<16xi32>,
    %gather3A_9 = tpu.vector_load_idx %arg5[%broadcast_in_dim3A, %broadcast_in_dim3A_2, %get3A_8] : memref<32x5x5xf32, #tpu.memory_space<vmem>>[vector<16xi32>, vector<16xi32>, vector<16xi32>], vector<16xf32>,
    %swap3A_10 = arith.constant 0 : i32
    %swap3A_11 = arith.index_cast %swap3A_10 : i32 to index
    %swap3A_12 = arith.constant 16 : index
    %swap3A_13 = tpu.vector_load %arg7[%swap3A_11, %swap3A_12] {strides = array<i32>} : memref<16x128xf32, #tpu.memory_space<vmem>>, vector<16xf32>,
    tpu.vector_store %arg7[%swap3A_11, %swap3A_12], %gather3A_9 {strides = array<i32>} : memref<16x128xf32, #tpu.memory_space<vmem>>, vector<16xf32>,
    %get3A_14 = arith.constant 32 : index
    %get3A_15 = tpu.vector_load %arg6[%get3A_14] {strides = array<i32>} : memref<272xi32, #tpu.memory_space<vmem>>, vector<16xi32>,
    %gather3A_16 = tpu.vector_load_idx %arg5[%broadcast_in_dim3A, %broadcast_in_dim3A_2, %get3A_15] : memref<32x5x5xf32, #tpu.memory_space<vmem>>[vector<16xi32>, vector<16xi32>, vector<16xi32>], vector<16xf32>,
    %swap3A_17 = arith.constant 0 : i32
    %swap3A_18 = arith.index_cast %swap3A_17 : i32 to index
    %swap3A_19 = arith.constant 32 : index
    %swap3A_20 = tpu.vector_load %arg7[%swap3A_18, %swap3A_19] {strides = array<i32>} : memref<16x128xf32, #tpu.memory_space<vmem>>, vector<16xf32>,
    tpu.vector_store %arg7[%swap3A_18, %swap3A_19], %gather3A_16 {strides = array<i32>} : memref<16x128xf32, #tpu.memory_space<vmem>>, vector<16xf32>,
    %get3A_21 = arith.constant 48 : index
    %get3A_22 = tpu.vector_load %arg6[%get3A_21] {strides = array<i32>} : memref<272xi32, #tpu.memory_space<vmem>>, vector<16xi32>,
    %gather3A_23 = tpu.vector_load_idx %arg5[%broadcast_in_dim3A, %broadcast_in_dim3A_2, %get3A_22] : memref<32x5x5xf32, #tpu.memory_space<vmem>>[vector<16xi32>, vector<16xi32>, vector<16xi32>], vector<16xf32>,
    %swap3A_24 = arith.constant 0 : i32
    %swap3A_25 = arith.index_cast %swap3A_24 : i32 to index
    %swap3A_26 = arith.constant 48 : index
    %swap3A_27 = tpu.vector_load %arg7[%swap3A_25, %swap3A_26] {strides = array<i32>} : memref<16x128xf32, #tpu.memory_space<vmem>>, vector<16xf32>,
    tpu.vector_store %arg7[%swap3A_25, %swap3A_26], %gather3A_23 {strides = array<i32>} : memref<16x128xf32, #tpu.memory_space<vmem>>, vector<16xf32>,
    %get3A_28 = arith.constant 64 : index
    %get3A_29 = tpu.vector_load %arg6[%get3A_28] {strides = array<i32>} : memref<272xi32, #tpu.memory_space<vmem>>, vector<16xi32>,
    %gather3A_30 = tpu.vector_load_idx %arg5[%broadcast_in_dim3A, %broadcast_in_dim3A_2, %get3A_29] : memref<32x5x5xf32, #tpu.memory_space<vmem>>[vector<16xi32>, vector<16xi32>, vector<16xi32>], vector<16xf32>,
    %swap3A_31 = arith.constant 0 : i32
    %swap3A_32 = arith.index_cast %swap3A_31 : i32 to index
    %swap3A_33 = arith.constant 64 : index
    %swap3A_34 = tpu.vector_load %arg7[%swap3A_32, %swap3A_33] {strides = array<i32>} : memref<16x128xf32, #tpu.memory_space<vmem>>, vector<16xf32>,
    tpu.vector_store %arg7[%swap3A_32, %swap3A_33], %gather3A_30 {strides = array<i32>} : memref<16x128xf32, #tpu.memory_space<vmem>>, vector<16xf32>,
    %get3A_35 = arith.constant 80 : index
    %get3A_36 = tpu.vector_load %arg6[%get3A_35] {strides = array<i32>} : memref<272xi32, #tpu.memory_space<vmem>>, vector<16xi32>,
    %gather3A_37 = tpu.vector_load_idx %arg5[%broadcast_in_dim3A, %broadcast_in_dim3A_2, %get3A_36] : memref<32x5x5xf32, #tpu.memory_space<vmem>>[vector<16xi32>, vector<16xi32>, vector<16xi32>], vector<16xf32>,
    %swap3A_38 = arith.constant 0 : i32
    %swap3A_39 = arith.index_cast %swap3A_38 : i32 to index
    %swap3A_40 = arith.constant 80 : index
    %swap3A_41 = tpu.vector_load %arg7[%swap3A_39, %swap3A_40] {strides = array<i32>} : memref<16x128xf32, #tpu.memory_space<vmem>>, vector<16xf32>,
    tpu.vector_store %arg7[%swap3A_39, %swap3A_40], %gather3A_37 {strides = array<i32>} : memref<16x128xf32, #tpu.memory_space<vmem>>, vector<16xf32>,
    %get3A_42 = arith.constant 96 : index
    %get3A_43 = tpu.vector_load %arg6[%get3A_42] {strides = array<i32>} : memref<272xi32, #tpu.memory_space<vmem>>, vector<16xi32>,
    %gather3A_44 = tpu.vector_load_idx %arg5[%broadcast_in_dim3A, %broadcast_in_dim3A_2, %get3A_43] : memref<32x5x5xf32, #tpu.memory_space<vmem>>[vector<16xi32>, vector<16xi32>, vector<16xi32>], vector<16xf32>,
    %swap3A_45 = arith.constant 0 : i32
    %swap3A_46 = arith.index_cast %swap3A_45 : i32 to index
    %swap3A_47 = arith.constant 96 : index
    %swap3A_48 = tpu.vector_load %arg7[%swap3A_46, %swap3A_47] {strides = array<i32>} : memref<16x128xf32, #tpu.memory_space<vmem>>, vector<16xf32>,
    tpu.vector_store %arg7[%swap3A_46, %swap3A_47], %gather3A_44 {strides = array<i32>} : memref<16x128xf32, #tpu.memory_space<vmem>>, vector<16xf32>,
    %get3A_49 = arith.constant 112 : index
    %get3A_50 = tpu.vector_load %arg6[%get3A_49] {strides = array<i32>} : memref<272xi32, #tpu.memory_space<vmem>>, vector<16xi32>,
    %gather3A_51 = tpu.vector_load_idx %arg5[%broadcast_in_dim3A, %broadcast_in_dim3A_2, %get3A_50] : memref<32x5x5xf32, #tpu.memory_space<vmem>>[vector<16xi32>, vector<16xi32>, vector<16xi32>], vector<16xf32>,
    %swap3A_52 = arith.constant 0 : i32
    %swap3A_53 = arith.index_cast %swap3A_52 : i32 to index
    %swap3A_54 = arith.constant 112 : index
    %swap3A_55 = tpu.vector_load %arg7[%swap3A_53, %swap3A_54] {strides = array<i32>} : memref<16x128xf32, #tpu.memory_space<vmem>>, vector<16xf32>,
    tpu.vector_store %arg7[%swap3A_53, %swap3A_54], %gather3A_51 {strides = array<i32>} : memref<16x128xf32, #tpu.memory_space<vmem>>, vector<16xf32>,
    %get3A_56 = arith.constant 128 : index
    %get3A_57 = tpu.vector_load %arg6[%get3A_56] {strides = array<i32>} : memref<272xi32, #tpu.memory_space<vmem>>, vector<16xi32>,
    %gather3A_58 = tpu.vector_load_idx %arg5[%broadcast_in_dim3A, %broadcast_in_dim3A_2, %get3A_57] : memref<32x5x5xf32, #tpu.memory_space<vmem>>[vector<16xi32>, vector<16xi32>, vector<16xi32>], vector<16xf32>,
    %swap3A_59 = arith.constant 1 : i32
    %swap3A_60 = arith.index_cast %swap3A_59 : i32 to index
    %swap3A_61 = arith.constant 0 : index
    %swap3A_62 = tpu.vector_load %arg7[%swap3A_60, %swap3A_61] {strides = array<i32>} : memref<16x128xf32, #tpu.memory_space<vmem>>, vector<16xf32>,
    tpu.vector_store %arg7[%swap3A_60, %swap3A_61], %gather3A_58 {strides = array<i32>} : memref<16x128xf32, #tpu.memory_space<vmem>>, vector<16xf32>,
    %get3A_63 = arith.constant 144 : index
    %get3A_64 = tpu.vector_load %arg6[%get3A_63] {strides = array<i32>} : memref<272xi32, #tpu.memory_space<vmem>>, vector<16xi32>,
    %gather3A_65 = tpu.vector_load_idx %arg5[%broadcast_in_dim3A, %broadcast_in_dim3A_2, %get3A_64] : memref<32x5x5xf32, #tpu.memory_space<vmem>>[vector<16xi32>, vector<16xi32>, vector<16xi32>], vector<16xf32>,
    %swap3A_66 = arith.constant 1 : i32
    %swap3A_67 = arith.index_cast %swap3A_66 : i32 to index
    %swap3A_68 = arith.constant 16 : index
    %swap3A_69 = tpu.vector_load %arg7[%swap3A_67, %swap3A_68] {strides = array<i32>} : memref<16x128xf32, #tpu.memory_space<vmem>>, vector<16xf32>,
    tpu.vector_store %arg7[%swap3A_67, %swap3A_68], %gather3A_65 {strides = array<i32>} : memref<16x128xf32, #tpu.memory_space<vmem>>, vector<16xf32>,
    %get3A_70 = arith.constant 160 : index
    %get3A_71 = tpu.vector_load %arg6[%get3A_70] {strides = array<i32>} : memref<272xi32, #tpu.memory_space<vmem>>, vector<16xi32>,
    %gather3A_72 = tpu.vector_load_idx %arg5[%broadcast_in_dim3A, %broadcast_in_dim3A_2, %get3A_71] : memref<32x5x5xf32, #tpu.memory_space<vmem>>[vector<16xi32>, vector<16xi32>, vector<16xi32>], vector<16xf32>,
    %swap3A_73 = arith.constant 1 : i32
    %swap3A_74 = arith.index_cast %swap3A_73 : i32 to index
    %swap3A_75 = arith.constant 32 : index
    %swap3A_76 = tpu.vector_load %arg7[%swap3A_74, %swap3A_75] {strides = array<i32>} : memref<16x128xf32, #tpu.memory_space<vmem>>, vector<16xf32>,
    tpu.vector_store %arg7[%swap3A_74, %swap3A_75], %gather3A_72 {strides = array<i32>} : memref<16x128xf32, #tpu.memory_space<vmem>>, vector<16xf32>,
    %get3A_77 = arith.constant 176 : index
    %get3A_78 = tpu.vector_load %arg6[%get3A_77] {strides = array<i32>} : memref<272xi32, #tpu.memory_space<vmem>>, vector<16xi32>,
    %gather3A_79 = tpu.vector_load_idx %arg5[%broadcast_in_dim3A, %broadcast_in_dim3A_2, %get3A_78] : memref<32x5x5xf32, #tpu.memory_space<vmem>>[vector<16xi32>, vector<16xi32>, vector<16xi32>], vector<16xf32>,
    %swap3A_80 = arith.constant 1 : i32
    %swap3A_81 = arith.index_cast %swap3A_80 : i32 to index
    %swap3A_82 = arith.constant 48 : index
    %swap3A_83 = tpu.vector_load %arg7[%swap3A_81, %swap3A_82] {strides = array<i32>} : memref<16x128xf32, #tpu.memory_space<vmem>>, vector<16xf32>,
    tpu.vector_store %arg7[%swap3A_81, %swap3A_82], %gather3A_79 {strides = array<i32>} : memref<16x128xf32, #tpu.memory_space<vmem>>, vector<16xf32>,
    %get3A_84 = arith.constant 192 : index
    %get3A_85 = tpu.vector_load %arg6[%get3A_84] {strides = array<i32>} : memref<272xi32, #tpu.memory_space<vmem>>, vector<16xi32>,
    %gather3A_86 = tpu.vector_load_idx %arg5[%broadcast_in_dim3A, %broadcast_in_dim3A_2, %get3A_85] : memref<32x5x5xf32, #tpu.memory_space<vmem>>[vector<16xi32>, vector<16xi32>, vector<16xi32>], vector<16xf32>,
    %swap3A_87 = arith.constant 1 : i32
    %swap3A_88 = arith.index_cast %swap3A_87 : i32 to index
    %swap3A_89 = arith.constant 64 : index
    %swap3A_90 = tpu.vector_load %arg7[%swap3A_88, %swap3A_89] {strides = array<i32>} : memref<16x128xf32, #tpu.memory_space<vmem>>, vector<16xf32>,
    tpu.vector_store %arg7[%swap3A_88, %swap3A_89], %gather3A_86 {strides = array<i32>} : memref<16x128xf32, #tpu.memory_space<vmem>>, vector<16xf32>,
    %get3A_91 = arith.constant 208 : index
    %get3A_92 = tpu.vector_load %arg6[%get3A_91] {strides = array<i32>} : memref<272xi32, #tpu.memory_space<vmem>>, vector<16xi32>,
    %gather3A_93 = tpu.vector_load_idx %arg5[%broadcast_in_dim3A, %broadcast_in_dim3A_2, %get3A_92] : memref<32x5x5xf32, #tpu.memory_space<vmem>>[vector<16xi32>, vector<16xi32>, vector<16xi32>], vector<16xf32>,
    %swap3A_94 = arith.constant 1 : i32
    %swap3A_95 = arith.index_cast %swap3A_94 : i32 to index
    %swap3A_96 = arith.constant 80 : index
    %swap3A_97 = tpu.vector_load %arg7[%swap3A_95, %swap3A_96] {strides = array<i32>} : memref<16x128xf32, #tpu.memory_space<vmem>>, vector<16xf32>,
    tpu.vector_store %arg7[%swap3A_95, %swap3A_96], %gather3A_93 {strides = array<i32>} : memref<16x128xf32, #tpu.memory_space<vmem>>, vector<16xf32>,
    %get3A_98 = arith.constant 224 : index
    %get3A_99 = tpu.vector_load %arg6[%get3A_98] {strides = array<i32>} : memref<272xi32, #tpu.memory_space<vmem>>, vector<16xi32>,
    %gather3A_100 = tpu.vector_load_idx %arg5[%broadcast_in_dim3A, %broadcast_in_dim3A_2, %get3A_99] : memref<32x5x5xf32, #tpu.memory_space<vmem>>[vector<16xi32>, vector<16xi32>, vector<16xi32>], vector<16xf32>,
    %swap3A_101 = arith.constant 1 : i32
    %swap3A_102 = arith.index_cast %swap3A_101 : i32 to index
    %swap3A_103 = arith.constant 96 : index
    %swap3A_104 = tpu.vector_load %arg7[%swap3A_102, %swap3A_103] {strides = array<i32>} : memref<16x128xf32, #tpu.memory_space<vmem>>, vector<16xf32>,
    tpu.vector_store %arg7[%swap3A_102, %swap3A_103], %gather3A_100 {strides = array<i32>} : memref<16x128xf32, #tpu.memory_space<vmem>>, vector<16xf32>,
    %get3A_105 = arith.constant 240 : index
    %get3A_106 = tpu.vector_load %arg6[%get3A_105] {strides = array<i32>} : memref<272xi32, #tpu.memory_space<vmem>>, vector<16xi32>,
    %gather3A_107 = tpu.vector_load_idx %arg5[%broadcast_in_dim3A, %broadcast_in_dim3A_2, %get3A_106] : memref<32x5x5xf32, #tpu.memory_space<vmem>>[vector<16xi32>, vector<16xi32>, vector<16xi32>], vector<16xf32>,
    %swap3A_108 = arith.constant 1 : i32
    %swap3A_109 = arith.index_cast %swap3A_108 : i32 to index
    %swap3A_110 = arith.constant 112 : index
    %swap3A_111 = tpu.vector_load %arg7[%swap3A_109, %swap3A_110] {strides = array<i32>} : memref<16x128xf32, #tpu.memory_space<vmem>>, vector<16xf32>,
    tpu.vector_store %arg7[%swap3A_109, %swap3A_110], %gather3A_107 {strides = array<i32>} : memref<16x128xf32, #tpu.memory_space<vmem>>, vector<16xf32>,
    %broadcast_in_dim3A_112 = arith.constant 1 : i32
    %broadcast_in_dim3A_113 = vector.broadcast %broadcast_in_dim3A_112 : i32 to vector<16xi32>
    %get3A_114 = arith.constant 0 : index
    %get3A_115 = tpu.vector_load %arg6[%get3A_114] {strides = array<i32>} : memref<272xi32, #tpu.memory_space<vmem>>, vector<16xi32>,
    %gather3A_116 = tpu.vector_load_idx %arg5[%broadcast_in_dim3A, %broadcast_in_dim3A_113, %get3A_115] : memref<32x5x5xf32, #tpu.memory_space<vmem>>[vector<16xi32>, vector<16xi32>, vector<16xi32>], vector<16xf32>,
    %swap3A_117 = arith.constant 2 : i32
    %swap3A_118 = arith.index_cast %swap3A_117 : i32 to index
    %swap3A_119 = arith.constant 0 : index
    %swap3A_120 = tpu.vector_load %arg7[%swap3A_118, %swap3A_119] {strides = array<i32>} : memref<16x128xf32, #tpu.memory_space<vmem>>, vector<16xf32>,
    tpu.vector_store %arg7[%swap3A_118, %swap3A_119], %gather3A_116 {strides = array<i32>} : memref<16x128xf32, #tpu.memory_space<vmem>>, vector<16xf32>,
    %get3A_121 = arith.constant 16 : index
    %get3A_122 = tpu.vector_load %arg6[%get3A_121] {strides = array<i32>} : memref<272xi32, #tpu.memory_space<vmem>>, vector<16xi32>,
    %gather3A_123 = tpu.vector_load_idx %arg5[%broadcast_in_dim3A, %broadcast_in_dim3A_113, %get3A_122] : memref<32x5x5xf32, #tpu.memory_space<vmem>>[vector<16xi32>, vector<16xi32>, vector<16xi32>], vector<16xf32>,
    %swap3A_124 = arith.constant 2 : i32
    %swap3A_125 = arith.index_cast %swap3A_124 : i32 to index
    %swap3A_126 = arith.constant 16 : index
    %swap3A_127 = tpu.vector_load %arg7[%swap3A_125, %swap3A_126] {strides = array<i32>} : memref<16x128xf32, #tpu.memory_space<vmem>>, vector<16xf32>,
    tpu.vector_store %arg7[%swap3A_125, %swap3A_126], %gather3A_123 {strides = array<i32>} : memref<16x128xf32, #tpu.memory_space<vmem>>, vector<16xf32>,
    %get3A_128 = arith.constant 32 : index
    %get3A_129 = tpu.vector_load %arg6[%get3A_128] {strides = array<i32>} : memref<272xi32, #tpu.memory_space<vmem>>, vector<16xi32>,
    %gather3A_130 = tpu.vector_load_idx %arg5[%broadcast_in_dim3A, %broadcast_in_dim3A_113, %get3A_129] : memref<32x5x5xf32, #tpu.memory_space<vmem>>[vector<16xi32>, vector<16xi32>, vector<16xi32>], vector<16xf32>,
    %swap3A_131 = arith.constant 2 : i32
    %swap3A_132 = arith.index_cast %swap3A_131 : i32 to index
    %swap3A_133 = arith.constant 32 : index
    %swap3A_134 = tpu.vector_load %arg7[%swap3A_132, %swap3A_133] {strides = array<i32>} : memref<16x128xf32, #tpu.memory_space<vmem>>, vector<16xf32>,
    tpu.vector_store %arg7[%swap3A_132, %swap3A_133], %gather3A_130 {strides = array<i32>} : memref<16x128xf32, #tpu.memory_space<vmem>>, vector<16xf32>,
    %get3A_135 = arith.constant 48 : index
    %get3A_136 = tpu.vector_load %arg6[%get3A_135] {strides = array<i32>} : memref<272xi32, #tpu.memory_space<vmem>>, vector<16xi32>,
    %gather3A_137 = tpu.vector_load_idx %arg5[%broadcast_in_dim3A, %broadcast_in_dim3A_113, %get3A_136] : memref<32x5x5xf32, #tpu.memory_space<vmem>>[vector<16xi32>, vector<16xi32>, vector<16xi32>], vector<16xf32>,
    %swap3A_138 = arith.constant 2 : i32
    %swap3A_139 = arith.index_cast %swap3A_138 : i32 to index
    %swap3A_140 = arith.constant 48 : index
    %swap3A_141 = tpu.vector_load %arg7[%swap3A_139, %swap3A_140] {strides = array<i32>} : memref<16x128xf32, #tpu.memory_space<vmem>>, vector<16xf32>,
    tpu.vector_store %arg7[%swap3A_139, %swap3A_140], %gather3A_137 {strides = array<i32>} : memref<16x128xf32, #tpu.memory_space<vmem>>, vector<16xf32>,
    %get3A_142 = arith.constant 64 : index
    %get3A_143 = tpu.vector_load %arg6[%get3A_142] {strides = array<i32>} : memref<272xi32, #tpu.memory_space<vmem>>, vector<16xi32>,
    %gather3A_144 = tpu.vector_load_idx %arg5[%broadcast_in_dim3A, %broadcast_in_dim3A_113, %get3A_143] : memref<32x5x5xf32, #tpu.memory_space<vmem>>[vector<16xi32>, vector<16xi32>, vector<16xi32>], vector<16xf32>,
    %swap3A_145 = arith.constant 2 : i32
    %swap3A_146 = arith.index_cast %swap3A_145 : i32 to index
    %swap3A_147 = arith.constant 64 : index
    %swap3A_148 = tpu.vector_load %arg7[%swap3A_146, %swap3A_147] {strides = array<i32>} : memref<16x128xf32, #tpu.memory_space<vmem>>, vector<16xf32>,
    tpu.vector_store %arg7[%swap3A_146, %swap3A_147], %gather3A_144 {strides = array<i32>} : memref<16x128xf32, #tpu.memory_space<vmem>>, vector<16xf32>,
    %get3A_149 = arith.constant 80 : index
    %get3A_150 = tpu.vector_load %arg6[%get3A_149] {strides = array<i32>} : memref<272xi32, #tpu.memory_space<vmem>>, vector<16xi32>,
    %gather3A_151 = tpu.vector_load_idx %arg5[%broadcast_in_dim3A, %broadcast_in_dim3A_113, %get3A_150] : memref<32x5x5xf32, #tpu.memory_space<vmem>>[vector<16xi32>, vector<16xi32>, vector<16xi32>], vector<16xf32>,
    %swap3A_152 = arith.constant 2 : i32
    %swap3A_153 = arith.index_cast %swap3A_152 : i32 to index
    %swap3A_154 = arith.constant 80 : index
    %swap3A_155 = tpu.vector_load %arg7[%swap3A_153, %swap3A_154] {strides = array<i32>} : memref<16x128xf32, #tpu.memory_space<vmem>>, vector<16xf32>,
    tpu.vector_store %arg7[%swap3A_153, %swap3A_154], %gather3A_151 {strides = array<i32>} : memref<16x128xf32, #tpu.memory_space<vmem>>, vector<16xf32>,
    %get3A_156 = arith.constant 96 : index
    %get3A_157 = tpu.vector_load %arg6[%get3A_156] {strides = array<i32>} : memref<272xi32, #tpu.memory_space<vmem>>, vector<16xi32>,
    %gather3A_158 = tpu.vector_load_idx %arg5[%broadcast_in_dim3A, %broadcast_in_dim3A_113, %get3A_157] : memref<32x5x5xf32, #tpu.memory_space<vmem>>[vector<16xi32>, vector<16xi32>, vector<16xi32>], vector<16xf32>,
    %swap3A_159 = arith.constant 2 : i32
    %swap3A_160 = arith.index_cast %swap3A_159 : i32 to index
    %swap3A_161 = arith.constant 96 : index
    %swap3A_162 = tpu.vector_load %arg7[%swap3A_160, %swap3A_161] {strides = array<i32>} : memref<16x128xf32, #tpu.memory_space<vmem>>, vector<16xf32>,
    tpu.vector_store %arg7[%swap3A_160, %swap3A_161], %gather3A_158 {strides = array<i32>} : memref<16x128xf32, #tpu.memory_space<vmem>>, vector<16xf32>,
    %get3A_163 = arith.constant 112 : index
    %get3A_164 = tpu.vector_load %arg6[%get3A_163] {strides = array<i32>} : memref<272xi32, #tpu.memory_space<vmem>>, vector<16xi32>,
    %gather3A_165 = tpu.vector_load_idx %arg5[%broadcast_in_dim3A, %broadcast_in_dim3A_113, %get3A_164] : memref<32x5x5xf32, #tpu.memory_space<vmem>>[vector<16xi32>, vector<16xi32>, vector<16xi32>], vector<16xf32>,
    %swap3A_166 = arith.constant 2 : i32
    %swap3A_167 = arith.index_cast %swap3A_166 : i32 to index
    %swap3A_168 = arith.constant 112 : index
    %swap3A_169 = tpu.vector_load %arg7[%swap3A_167, %swap3A_168] {strides = array<i32>} : memref<16x128xf32, #tpu.memory_space<vmem>>, vector<16xf32>,
    tpu.vector_store %arg7[%swap3A_167, %swap3A_168], %gather3A_165 {strides = array<i32>} : memref<16x128xf32, #tpu.memory_space<vmem>>, vector<16xf32>,
    %get3A_170 = arith.constant 128 : index
    %get3A_171 = tpu.vector_load %arg6[%get3A_170] {strides = array<i32>} : memref<272xi32, #tpu.memory_space<vmem>>, vector<16xi32>,
    %gather3A_172 = tpu.vector_load_idx %arg5[%broadcast_in_dim3A, %broadcast_in_dim3A_113, %get3A_171] : memref<32x5x5xf32, #tpu.memory_space<vmem>>[vector<16xi32>, vector<16xi32>, vector<16xi32>], vector<16xf32>,
    %swap3A_173 = arith.constant 3 : i32
    %swap3A_174 = arith.index_cast %swap3A_173 : i32 to index
    %swap3A_175 = arith.constant 0 : index
    %swap3A_176 = tpu.vector_load %arg7[%swap3A_174, %swap3A_175] {strides = array<i32>} : memref<16x128xf32, #tpu.memory_space<vmem>>, vector<16xf32>,
    tpu.vector_store %arg7[%swap3A_174, %swap3A_175], %gather3A_172 {strides = array<i32>} : memref<16x128xf32, #tpu.memory_space<vmem>>, vector<16xf32>,
    %get3A_177 = arith.constant 144 : index
    %get3A_178 = tpu.vector_load %arg6[%get3A_177] {strides = array<i32>} : memref<272xi32, #tpu.memory_space<vmem>>, vector<16xi32>,
    %gather3A_179 = tpu.vector_load_idx %arg5[%broadcast_in_dim3A, %broadcast_in_dim3A_113, %get3A_178] : memref<32x5x5xf32, #tpu.memory_space<vmem>>[vector<16xi32>, vector<16xi32>, vector<16xi32>], vector<16xf32>,
    %swap3A_180 = arith.constant 3 : i32
    %swap3A_181 = arith.index_cast %swap3A_180 : i32 to index
    %swap3A_182 = arith.constant 16 : index
    %swap3A_183 = tpu.vector_load %arg7[%swap3A_181, %swap3A_182] {strides = array<i32>} : memref<16x128xf32, #tpu.memory_space<vmem>>, vector<16xf32>,
    tpu.vector_store %arg7[%swap3A_181, %swap3A_182], %gather3A_179 {strides = array<i32>} : memref<16x128xf32, #tpu.memory_space<vmem>>, vector<16xf32>,
    %get3A_184 = arith.constant 160 : index
    %get3A_185 = tpu.vector_load %arg6[%get3A_184] {strides = array<i32>} : memref<272xi32, #tpu.memory_space<vmem>>, vector<16xi32>,
    %gather3A_186 = tpu.vector_load_idx %arg5[%broadcast_in_dim3A, %broadcast_in_dim3A_113, %get3A_185] : memref<32x5x5xf32, #tpu.memory_space<vmem>>[vector<16xi32>, vector<16xi32>, vector<16xi32>], vector<16xf32>,
    %swap3A_187 = arith.constant 3 : i32
    %swap3A_188 = arith.index_cast %swap3A_187 : i32 to index
    %swap3A_189 = arith.constant 32 : index
    %swap3A_190 = tpu.vector_load %arg7[%swap3A_188, %swap3A_189] {strides = array<i32>} : memref<16x128xf32, #tpu.memory_space<vmem>>, vector<16xf32>,
    tpu.vector_store %arg7[%swap3A_188, %swap3A_189], %gather3A_186 {strides = array<i32>} : memref<16x128xf32, #tpu.memory_space<vmem>>, vector<16xf32>,
    %get3A_191 = arith.constant 176 : index
    %get3A_192 = tpu.vector_load %arg6[%get3A_191] {strides = array<i32>} : memref<272xi32, #tpu.memory_space<vmem>>, vector<16xi32>,
    %gather3A_193 = tpu.vector_load_idx %arg5[%broadcast_in_dim3A, %broadcast_in_dim3A_113, %get3A_192] : memref<32x5x5xf32, #tpu.memory_space<vmem>>[vector<16xi32>, vector<16xi32>, vector<16xi32>], vector<16xf32>,
    %swap3A_194 = arith.constant 3 : i32
    %swap3A_195 = arith.index_cast %swap3A_194 : i32 to index
    %swap3A_196 = arith.constant 48 : index
    %swap3A_197 = tpu.vector_load %arg7[%swap3A_195, %swap3A_196] {strides = array<i32>} : memref<16x128xf32, #tpu.memory_space<vmem>>, vector<16xf32>,
    tpu.vector_store %arg7[%swap3A_195, %swap3A_196], %gather3A_193 {strides = array<i32>} : memref<16x128xf32, #tpu.memory_space<vmem>>, vector<16xf32>,
    %get3A_198 = arith.constant 192 : index
    %get3A_199 = tpu.vector_load %arg6[%get3A_198] {strides = array<i32>} : memref<272xi32, #tpu.memory_space<vmem>>, vector<16xi32>,
    %gather3A_200 = tpu.vector_load_idx %arg5[%broadcast_in_dim3A, %broadcast_in_dim3A_113, %get3A_199] : memref<32x5x5xf32, #tpu.memory_space<vmem>>[vector<16xi32>, vector<16xi32>, vector<16xi32>], vector<16xf32>,
    %swap3A_201 = arith.constant 3 : i32
    %swap3A_202 = arith.index_cast %swap3A_201 : i32 to index
    %swap3A_203 = arith.constant 64 : index
    %swap3A_204 = tpu.vector_load %arg7[%swap3A_202, %swap3A_203] {strides = array<i32>} : memref<16x128xf32, #tpu.memory_space<vmem>>, vector<16xf32>,
    tpu.vector_store %arg7[%swap3A_202, %swap3A_203], %gather3A_200 {strides = array<i32>} : memref<16x128xf32, #tpu.memory_space<vmem>>, vector<16xf32>,
    %get3A_205 = arith.constant 208 : index
    %get3A_206 = tpu.vector_load %arg6[%get3A_205] {strides = array<i32>} : memref<272xi32, #tpu.memory_space<vmem>>, vector<16xi32>,
    %gather3A_207 = tpu.vector_load_idx %arg5[%broadcast_in_dim3A, %broadcast_in_dim3A_113, %get3A_206] : memref<32x5x5xf32, #tpu.memory_space<vmem>>[vector<16xi32>, vector<16xi32>, vector<16xi32>], vector<16xf32>,
    %swap3A_208 = arith.constant 3 : i32
    %swap3A_209 = arith.index_cast %swap3A_208 : i32 to index
    %swap3A_210 = arith.constant 80 : index
    %swap3A_211 = tpu.vector_load %arg7[%swap3A_209, %swap3A_210] {strides = array<i32>} : memref<16x128xf32, #tpu.memory_space<vmem>>, vector<16xf32>,
    tpu.vector_store %arg7[%swap3A_209, %swap3A_210], %gather3A_207 {strides = array<i32>} : memref<16x128xf32, #tpu.memory_space<vmem>>, vector<16xf32>,
    %get3A_212 = arith.constant 224 : index
    %get3A_213 = tpu.vector_load %arg6[%get3A_212] {strides = array<i32>} : memref<272xi32, #tpu.memory_space<vmem>>, vector<16xi32>,
    %gather3A_214 = tpu.vector_load_idx %arg5[%broadcast_in_dim3A, %broadcast_in_dim3A_113, %get3A_213] : memref<32x5x5xf32, #tpu.memory_space<vmem>>[vector<16xi32>, vector<16xi32>, vector<16xi32>], vector<16xf32>,
    %swap3A_215 = arith.constant 3 : i32
    %swap3A_216 = arith.index_cast %swap3A_215 : i32 to index
    %swap3A_217 = arith.constant 96 : index
    %swap3A_218 = tpu.vector_load %arg7[%swap3A_216, %swap3A_217] {strides = array<i32>} : memref<16x128xf32, #tpu.memory_space<vmem>>, vector<16xf32>,
    tpu.vector_store %arg7[%swap3A_216, %swap3A_217], %gather3A_214 {strides = array<i32>} : memref<16x128xf32, #tpu.memory_space<vmem>>, vector<16xf32>,
    %get3A_219 = arith.constant 240 : index
    %get3A_220 = tpu.vector_load %arg6[%get3A_219] {strides = array<i32>} : memref<272xi32, #tpu.memory_space<vmem>>, vector<16xi32>,
    %gather3A_221 = tpu.vector_load_idx %arg5[%broadcast_in_dim3A, %broadcast_in_dim3A_113, %get3A_220] : memref<32x5x5xf32, #tpu.memory_space<vmem>>[vector<16xi32>, vector<16xi32>, vector<16xi32>], vector<16xf32>,
    %swap3A_222 = arith.constant 3 : i32
    %swap3A_223 = arith.index_cast %swap3A_222 : i32 to index
    %swap3A_224 = arith.constant 112 : index
    %swap3A_225 = tpu.vector_load %arg7[%swap3A_223, %swap3A_224] {strides = array<i32>} : memref<16x128xf32, #tpu.memory_space<vmem>>, vector<16xf32>,
    tpu.vector_store %arg7[%swap3A_223, %swap3A_224], %gather3A_221 {strides = array<i32>} : memref<16x128xf32, #tpu.memory_space<vmem>>, vector<16xf32>,
    %broadcast_in_dim3A_226 = arith.constant 2 : i32
    %broadcast_in_dim3A_227 = vector.broadcast %broadcast_in_dim3A_226 : i32 to vector<16xi32>
    %get3A_228 = arith.constant 0 : index
    %get3A_229 = tpu.vector_load %arg6[%get3A_228] {strides = array<i32>} : memref<272xi32, #tpu.memory_space<vmem>>, vector<16xi32>,
    %gather3A_230 = tpu.vector_load_idx %arg5[%broadcast_in_dim3A, %broadcast_in_dim3A_227, %get3A_229] : memref<32x5x5xf32, #tpu.memory_space<vmem>>[vector<16xi32>, vector<16xi32>, vector<16xi32>], vector<16xf32>,
    %swap3A_231 = arith.constant 4 : i32
    %swap3A_232 = arith.index_cast %swap3A_231 : i32 to index
    %swap3A_233 = arith.constant 0 : index
    %swap3A_234 = tpu.vector_load %arg7[%swap3A_232, %swap3A_233] {strides = array<i32>} : memref<16x128xf32, #tpu.memory_space<vmem>>, vector<16xf32>,
    tpu.vector_store %arg7[%swap3A_232, %swap3A_233], %gather3A_230 {strides = array<i32>} : memref<16x128xf32, #tpu.memory_space<vmem>>, vector<16xf32>,
    %get3A_235 = arith.constant 16 : index
    %get3A_236 = tpu.vector_load %arg6[%get3A_235] {strides = array<i32>} : memref<272xi32, #tpu.memory_space<vmem>>, vector<16xi32>,
    %gather3A_237 = tpu.vector_load_idx %arg5[%broadcast_in_dim3A, %broadcast_in_dim3A_227, %get3A_236] : memref<32x5x5xf32, #tpu.memory_space<vmem>>[vector<16xi32>, vector<16xi32>, vector<16xi32>], vector<16xf32>,
    %swap3A_238 = arith.constant 4 : i32
    %swap3A_239 = arith.index_cast %swap3A_238 : i32 to index
    %swap3A_240 = arith.constant 16 : index
    %swap3A_241 = tpu.vector_load %arg7[%swap3A_239, %swap3A_240] {strides = array<i32>} : memref<16x128xf32, #tpu.memory_space<vmem>>, vector<16xf32>,
    tpu.vector_store %arg7[%swap3A_239, %swap3A_240], %gather3A_237 {strides = array<i32>} : memref<16x128xf32, #tpu.memory_space<vmem>>, vector<16xf32>,
    %get3A_242 = arith.constant 32 : index
    %get3A_243 = tpu.vector_load %arg6[%get3A_242] {strides = array<i32>} : memref<272xi32, #tpu.memory_space<vmem>>, vector<16xi32>,
    %gather3A_244 = tpu.vector_load_idx %arg5[%broadcast_in_dim3A, %broadcast_in_dim3A_227, %get3A_243] : memref<32x5x5xf32, #tpu.memory_space<vmem>>[vector<16xi32>, vector<16xi32>, vector<16xi32>], vector<16xf32>,
    %swap3A_245 = arith.constant 4 : i32
    %swap3A_246 = arith.index_cast %swap3A_245 : i32 to index
    %swap3A_247 = arith.constant 32 : index
    %swap3A_248 = tpu.vector_load %arg7[%swap3A_246, %swap3A_247] {strides = array<i32>} : memref<16x128xf32, #tpu.memory_space<vmem>>, vector<16xf32>,
    tpu.vector_store %arg7[%swap3A_246, %swap3A_247], %gather3A_244 {strides = array<i32>} : memref<16x128xf32, #tpu.memory_space<vmem>>, vector<16xf32>,
    %get3A_249 = arith.constant 48 : index
    %get3A_250 = tpu.vector_load %arg6[%get3A_249] {strides = array<i32>} : memref<272xi32, #tpu.memory_space<vmem>>, vector<16xi32>,
    %gather3A_251 = tpu.vector_load_idx %arg5[%broadcast_in_dim3A, %broadcast_in_dim3A_227, %get3A_250] : memref<32x5x5xf32, #tpu.memory_space<vmem>>[vector<16xi32>, vector<16xi32>, vector<16xi32>], vector<16xf32>,
    %swap3A_252 = arith.constant 4 : i32
    %swap3A_253 = arith.index_cast %swap3A_252 : i32 to index
    %swap3A_254 = arith.constant 48 : index
    %swap3A_255 = tpu.vector_load %arg7[%swap3A_253, %swap3A_254] {strides = array<i32>} : memref<16x128xf32, #tpu.memory_space<vmem>>, vector<16xf32>,
    tpu.vector_store %arg7[%swap3A_253, %swap3A_254], %gather3A_251 {strides = array<i32>} : memref<16x128xf32, #tpu.memory_space<vmem>>, vector<16xf32>,
    %get3A_256 = arith.constant 64 : index
    %get3A_257 = tpu.vector_load %arg6[%get3A_256] {strides = array<i32>} : memref<272xi32, #tpu.memory_space<vmem>>, vector<16xi32>,
    %gather3A_258 = tpu.vector_load_idx %arg5[%broadcast_in_dim3A, %broadcast_in_dim3A_227, %get3A_257] : memref<32x5x5xf32, #tpu.memory_space<vmem>>[vector<16xi32>, vector<16xi32>, vector<16xi32>], vector<16xf32>,
    %swap3A_259 = arith.constant 4 : i32
    %swap3A_260 = arith.index_cast %swap3A_259 : i32 to index
    %swap3A_261 = arith.constant 64 : index
    %swap3A_262 = tpu.vector_load %arg7[%swap3A_260, %swap3A_261] {strides = array<i32>} : memref<16x128xf32, #tpu.memory_space<vmem>>, vector<16xf32>,
    tpu.vector_store %arg7[%swap3A_260, %swap3A_261], %gather3A_258 {strides = array<i32>} : memref<16x128xf32, #tpu.memory_space<vmem>>, vector<16xf32>,
    %get3A_263 = arith.constant 80 : index
    %get3A_264 = tpu.vector_load %arg6[%get3A_263] {strides = array<i32>} : memref<272xi32, #tpu.memory_space<vmem>>, vector<16xi32>,
    %gather3A_265 = tpu.vector_load_idx %arg5[%broadcast_in_dim3A, %broadcast_in_dim3A_227, %get3A_264] : memref<32x5x5xf32, #tpu.memory_space<vmem>>[vector<16xi32>, vector<16xi32>, vector<16xi32>], vector<16xf32>,
    %swap3A_266 = arith.constant 4 : i32
    %swap3A_267 = arith.index_cast %swap3A_266 : i32 to index
    %swap3A_268 = arith.constant 80 : index
    %swap3A_269 = tpu.vector_load %arg7[%swap3A_267, %swap3A_268] {strides = array<i32>} : memref<16x128xf32, #tpu.memory_space<vmem>>, vector<16xf32>,
    tpu.vector_store %arg7[%swap3A_267, %swap3A_268], %gather3A_265 {strides = array<i32>} : memref<16x128xf32, #tpu.memory_space<vmem>>, vector<16xf32>,
    %get3A_270 = arith.constant 96 : index
    %get3A_271 = tpu.vector_load %arg6[%get3A_270] {strides = array<i32>} : memref<272xi32, #tpu.memory_space<vmem>>, vector<16xi32>,
    %gather3A_272 = tpu.vector_load_idx %arg5[%broadcast_in_dim3A, %broadcast_in_dim3A_227, %get3A_271] : memref<32x5x5xf32, #tpu.memory_space<vmem>>[vector<16xi32>, vector<16xi32>, vector<16xi32>], vector<16xf32>,
    %swap3A_273 = arith.constant 4 : i32
    %swap3A_274 = arith.index_cast %swap3A_273 : i32 to index
    %swap3A_275 = arith.constant 96 : index
    %swap3A_276 = tpu.vector_load %arg7[%swap3A_274, %swap3A_275] {strides = array<i32>} : memref<16x128xf32, #tpu.memory_space<vmem>>, vector<16xf32>,
    tpu.vector_store %arg7[%swap3A_274, %swap3A_275], %gather3A_272 {strides = array<i32>} : memref<16x128xf32, #tpu.memory_space<vmem>>, vector<16xf32>,
    %get3A_277 = arith.constant 112 : index
    %get3A_278 = tpu.vector_load %arg6[%get3A_277] {strides = array<i32>} : memref<272xi32, #tpu.memory_space<vmem>>, vector<16xi32>,
    %gather3A_279 = tpu.vector_load_idx %arg5[%broadcast_in_dim3A, %broadcast_in_dim3A_227, %get3A_278] : memref<32x5x5xf32, #tpu.memory_space<vmem>>[vector<16xi32>, vector<16xi32>, vector<16xi32>], vector<16xf32>,
    %swap3A_280 = arith.constant 4 : i32
    %swap3A_281 = arith.index_cast %swap3A_280 : i32 to index
    %swap3A_282 = arith.constant 112 : index
    %swap3A_283 = tpu.vector_load %arg7[%swap3A_281, %swap3A_282] {strides = array<i32>} : memref<16x128xf32, #tpu.memory_space<vmem>>, vector<16xf32>,
    tpu.vector_store %arg7[%swap3A_281, %swap3A_282], %gather3A_279 {strides = array<i32>} : memref<16x128xf32, #tpu.memory_space<vmem>>, vector<16xf32>,
    %get3A_284 = arith.constant 128 : index
    %get3A_285 = tpu.vector_load %arg6[%get3A_284] {strides = array<i32>} : memref<272xi32, #tpu.memory_space<vmem>>, vector<16xi32>,
    %gather3A_286 = tpu.vector_load_idx %arg5[%broadcast_in_dim3A, %broadcast_in_dim3A_227, %get3A_285] : memref<32x5x5xf32, #tpu.memory_space<vmem>>[vector<16xi32>, vector<16xi32>, vector<16xi32>], vector<16xf32>,
    %swap3A_287 = arith.constant 5 : i32
    %swap3A_288 = arith.index_cast %swap3A_287 : i32 to index
    %swap3A_289 = arith.constant 0 : index
    %swap3A_290 = tpu.vector_load %arg7[%swap3A_288, %swap3A_289] {strides = array<i32>} : memref<16x128xf32, #tpu.memory_space<vmem>>, vector<16xf32>,
    tpu.vector_store %arg7[%swap3A_288, %swap3A_289], %gather3A_286 {strides = array<i32>} : memref<16x128xf32, #tpu.memory_space<vmem>>, vector<16xf32>,
    %get3A_291 = arith.constant 144 : index
    %get3A_292 = tpu.vector_load %arg6[%get3A_291] {strides = array<i32>} : memref<272xi32, #tpu.memory_space<vmem>>, vector<16xi32>,
    %gather3A_293 = tpu.vector_load_idx %arg5[%broadcast_in_dim3A, %broadcast_in_dim3A_227, %get3A_292] : memref<32x5x5xf32, #tpu.memory_space<vmem>>[vector<16xi32>, vector<16xi32>, vector<16xi32>], vector<16xf32>,
    %swap3A_294 = arith.constant 5 : i32
    %swap3A_295 = arith.index_cast %swap3A_294 : i32 to index
    %swap3A_296 = arith.constant 16 : index
    %swap3A_297 = tpu.vector_load %arg7[%swap3A_295, %swap3A_296] {strides = array<i32>} : memref<16x128xf32, #tpu.memory_space<vmem>>, vector<16xf32>,
    tpu.vector_store %arg7[%swap3A_295, %swap3A_296], %gather3A_293 {strides = array<i32>} : memref<16x128xf32, #tpu.memory_space<vmem>>, vector<16xf32>,
    %get3A_298 = arith.constant 160 : index
    %get3A_299 = tpu.vector_load %arg6[%get3A_298] {strides = array<i32>} : memref<272xi32, #tpu.memory_space<vmem>>, vector<16xi32>,
    %gather3A_300 = tpu.vector_load_idx %arg5[%broadcast_in_dim3A, %broadcast_in_dim3A_227, %get3A_299] : memref<32x5x5xf32, #tpu.memory_space<vmem>>[vector<16xi32>, vector<16xi32>, vector<16xi32>], vector<16xf32>,
    %swap3A_301 = arith.constant 5 : i32
    %swap3A_302 = arith.index_cast %swap3A_301 : i32 to index
    %swap3A_303 = arith.constant 32 : index
    %swap3A_304 = tpu.vector_load %arg7[%swap3A_302, %swap3A_303] {strides = array<i32>} : memref<16x128xf32, #tpu.memory_space<vmem>>, vector<16xf32>,
    tpu.vector_store %arg7[%swap3A_302, %swap3A_303], %gather3A_300 {strides = array<i32>} : memref<16x128xf32, #tpu.memory_space<vmem>>, vector<16xf32>,
    %get3A_305 = arith.constant 176 : index
    %get3A_306 = tpu.vector_load %arg6[%get3A_305] {strides = array<i32>} : memref<272xi32, #tpu.memory_space<vmem>>, vector<16xi32>,
    %gather3A_307 = tpu.vector_load_idx %arg5[%broadcast_in_dim3A, %broadcast_in_dim3A_227, %get3A_306] : memref<32x5x5xf32, #tpu.memory_space<vmem>>[vector<16xi32>, vector<16xi32>, vector<16xi32>], vector<16xf32>,
    %swap3A_308 = arith.constant 5 : i32
    %swap3A_309 = arith.index_cast %swap3A_308 : i32 to index
    %swap3A_310 = arith.constant 48 : index
    %swap3A_311 = tpu.vector_load %arg7[%swap3A_309, %swap3A_310] {strides = array<i32>} : memref<16x128xf32, #tpu.memory_space<vmem>>, vector<16xf32>,
    tpu.vector_store %arg7[%swap3A_309, %swap3A_310], %gather3A_307 {strides = array<i32>} : memref<16x128xf32, #tpu.memory_space<vmem>>, vector<16xf32>,
    %get3A_312 = arith.constant 192 : index
    %get3A_313 = tpu.vector_load %arg6[%get3A_312] {strides = array<i32>} : memref<272xi32, #tpu.memory_space<vmem>>, vector<16xi32>,
    %gather3A_314 = tpu.vector_load_idx %arg5[%broadcast_in_dim3A, %broadcast_in_dim3A_227, %get3A_313] : memref<32x5x5xf32, #tpu.memory_space<vmem>>[vector<16xi32>, vector<16xi32>, vector<16xi32>], vector<16xf32>,
    %swap3A_315 = arith.constant 5 : i32
    %swap3A_316 = arith.index_cast %swap3A_315 : i32 to index
    %swap3A_317 = arith.constant 64 : index
    %swap3A_318 = tpu.vector_load %arg7[%swap3A_316, %swap3A_317] {strides = array<i32>} : memref<16x128xf32, #tpu.memory_space<vmem>>, vector<16xf32>,
    tpu.vector_store %arg7[%swap3A_316, %swap3A_317], %gather3A_314 {strides = array<i32>} : memref<16x128xf32, #tpu.memory_space<vmem>>, vector<16xf32>,
    %get3A_319 = arith.constant 208 : index
    %get3A_320 = tpu.vector_load %arg6[%get3A_319] {strides = array<i32>} : memref<272xi32, #tpu.memory_space<vmem>>, vector<16xi32>,
    %gather3A_321 = tpu.vector_load_idx %arg5[%broadcast_in_dim3A, %broadcast_in_dim3A_227, %get3A_320] : memref<32x5x5xf32, #tpu.memory_space<vmem>>[vector<16xi32>, vector<16xi32>, vector<16xi32>], vector<16xf32>,
    %swap3A_322 = arith.constant 5 : i32
    %swap3A_323 = arith.index_cast %swap3A_322 : i32 to index
    %swap3A_324 = arith.constant 80 : index
    %swap3A_325 = tpu.vector_load %arg7[%swap3A_323, %swap3A_324] {strides = array<i32>} : memref<16x128xf32, #tpu.memory_space<vmem>>, vector<16xf32>,
    tpu.vector_store %arg7[%swap3A_323, %swap3A_324], %gather3A_321 {strides = array<i32>} : memref<16x128xf32, #tpu.memory_space<vmem>>, vector<16xf32>,
    %get3A_326 = arith.constant 224 : index
    %get3A_327 = tpu.vector_load %arg6[%get3A_326] {strides = array<i32>} : memref<272xi32, #tpu.memory_space<vmem>>, vector<16xi32>,
    %gather3A_328 = tpu.vector_load_idx %arg5[%broadcast_in_dim3A, %broadcast_in_dim3A_227, %get3A_327] : memref<32x5x5xf32, #tpu.memory_space<vmem>>[vector<16xi32>, vector<16xi32>, vector<16xi32>], vector<16xf32>,
    %swap3A_329 = arith.constant 5 : i32
    %swap3A_330 = arith.index_cast %swap3A_329 : i32 to index
    %swap3A_331 = arith.constant 96 : index
    %swap3A_332 = tpu.vector_load %arg7[%swap3A_330, %swap3A_331] {strides = array<i32>} : memref<16x128xf32, #tpu.memory_space<vmem>>, vector<16xf32>,
    tpu.vector_store %arg7[%swap3A_330, %swap3A_331], %gather3A_328 {strides = array<i32>} : memref<16x128xf32, #tpu.memory_space<vmem>>, vector<16xf32>,
    %get3A_333 = arith.constant 240 : index
    %get3A_334 = tpu.vector_load %arg6[%get3A_333] {strides = array<i32>} : memref<272xi32, #tpu.memory_space<vmem>>, vector<16xi32>,
    %gather3A_335 = tpu.vector_load_idx %arg5[%broadcast_in_dim3A, %broadcast_in_dim3A_227, %get3A_334] : memref<32x5x5xf32, #tpu.memory_space<vmem>>[vector<16xi32>, vector<16xi32>, vector<16xi32>], vector<16xf32>,
    %swap3A_336 = arith.constant 5 : i32
    %swap3A_337 = arith.index_cast %swap3A_336 : i32 to index
    %swap3A_338 = arith.constant 112 : index
    %swap3A_339 = tpu.vector_load %arg7[%swap3A_337, %swap3A_338] {strides = array<i32>} : memref<16x128xf32, #tpu.memory_space<vmem>>, vector<16xf32>,
    tpu.vector_store %arg7[%swap3A_337, %swap3A_338], %gather3A_335 {strides = array<i32>} : memref<16x128xf32, #tpu.memory_space<vmem>>, vector<16xf32>,
    %broadcast_in_dim3A_340 = arith.constant 3 : i32
    %broadcast_in_dim3A_341 = vector.broadcast %broadcast_in_dim3A_340 : i32 to vector<16xi32>
    %get3A_342 = arith.constant 0 : index
    %get3A_343 = tpu.vector_load %arg6[%get3A_342] {strides = array<i32>} : memref<272xi32, #tpu.memory_space<vmem>>, vector<16xi32>,
    %gather3A_344 = tpu.vector_load_idx %arg5[%broadcast_in_dim3A, %broadcast_in_dim3A_341, %get3A_343] : memref<32x5x5xf32, #tpu.memory_space<vmem>>[vector<16xi32>, vector<16xi32>, vector<16xi32>], vector<16xf32>,
    %swap3A_345 = arith.constant 6 : i32
    %swap3A_346 = arith.index_cast %swap3A_345 : i32 to index
    %swap3A_347 = arith.constant 0 : index
    %swap3A_348 = tpu.vector_load %arg7[%swap3A_346, %swap3A_347] {strides = array<i32>} : memref<16x128xf32, #tpu.memory_space<vmem>>, vector<16xf32>,
    tpu.vector_store %arg7[%swap3A_346, %swap3A_347], %gather3A_344 {strides = array<i32>} : memref<16x128xf32, #tpu.memory_space<vmem>>, vector<16xf32>,
    %get3A_349 = arith.constant 16 : index
    %get3A_350 = tpu.vector_load %arg6[%get3A_349] {strides = array<i32>} : memref<272xi32, #tpu.memory_space<vmem>>, vector<16xi32>,
    %gather3A_351 = tpu.vector_load_idx %arg5[%broadcast_in_dim3A, %broadcast_in_dim3A_341, %get3A_350] : memref<32x5x5xf32, #tpu.memory_space<vmem>>[vector<16xi32>, vector<16xi32>, vector<16xi32>], vector<16xf32>,
    %swap3A_352 = arith.constant 6 : i32
    %swap3A_353 = arith.index_cast %swap3A_352 : i32 to index
    %swap3A_354 = arith.constant 16 : index
    %swap3A_355 = tpu.vector_load %arg7[%swap3A_353, %swap3A_354] {strides = array<i32>} : memref<16x128xf32, #tpu.memory_space<vmem>>, vector<16xf32>,
    tpu.vector_store %arg7[%swap3A_353, %swap3A_354], %gather3A_351 {strides = array<i32>} : memref<16x128xf32, #tpu.memory_space<vmem>>, vector<16xf32>,
    %get3A_356 = arith.constant 32 : index
    %get3A_357 = tpu.vector_load %arg6[%get3A_356] {strides = array<i32>} : memref<272xi32, #tpu.memory_space<vmem>>, vector<16xi32>,
    %gather3A_358 = tpu.vector_load_idx %arg5[%broadcast_in_dim3A, %broadcast_in_dim3A_341, %get3A_357] : memref<32x5x5xf32, #tpu.memory_space<vmem>>[vector<16xi32>, vector<16xi32>, vector<16xi32>], vector<16xf32>,
    %swap3A_359 = arith.constant 6 : i32
    %swap3A_360 = arith.index_cast %swap3A_359 : i32 to index
    %swap3A_361 = arith.constant 32 : index
    %swap3A_362 = tpu.vector_load %arg7[%swap3A_360, %swap3A_361] {strides = array<i32>} : memref<16x128xf32, #tpu.memory_space<vmem>>, vector<16xf32>,
    tpu.vector_store %arg7[%swap3A_360, %swap3A_361], %gather3A_358 {strides = array<i32>} : memref<16x128xf32, #tpu.memory_space<vmem>>, vector<16xf32>,
    %get3A_363 = arith.constant 48 : index
    %get3A_364 = tpu.vector_load %arg6[%get3A_363] {strides = array<i32>} : memref<272xi32, #tpu.memory_space<vmem>>, vector<16xi32>,
    %gather3A_365 = tpu.vector_load_idx %arg5[%broadcast_in_dim3A, %broadcast_in_dim3A_341, %get3A_364] : memref<32x5x5xf32, #tpu.memory_space<vmem>>[vector<16xi32>, vector<16xi32>, vector<16xi32>], vector<16xf32>,
    %swap3A_366 = arith.constant 6 : i32
    %swap3A_367 = arith.index_cast %swap3A_366 : i32 to index
    %swap3A_368 = arith.constant 48 : index
    %swap3A_369 = tpu.vector_load %arg7[%swap3A_367, %swap3A_368] {strides = array<i32>} : memref<16x128xf32, #tpu.memory_space<vmem>>, vector<16xf32>,
    tpu.vector_store %arg7[%swap3A_367, %swap3A_368], %gather3A_365 {strides = array<i32>} : memref<16x128xf32, #tpu.memory_space<vmem>>, vector<16xf32>,
    %get3A_370 = arith.constant 64 : index
    %get3A_371 = tpu.vector_load %arg6[%get3A_370] {strides = array<i32>} : memref<272xi32, #tpu.memory_space<vmem>>, vector<16xi32>,
    %gather3A_372 = tpu.vector_load_idx %arg5[%broadcast_in_dim3A, %broadcast_in_dim3A_341, %get3A_371] : memref<32x5x5xf32, #tpu.memory_space<vmem>>[vector<16xi32>, vector<16xi32>, vector<16xi32>], vector<16xf32>,
    %swap3A_373 = arith.constant 6 : i32
    %swap3A_374 = arith.index_cast %swap3A_373 : i32 to index
    %swap3A_375 = arith.constant 64 : index
    %swap3A_376 = tpu.vector_load %arg7[%swap3A_374, %swap3A_375] {strides = array<i32>} : memref<16x128xf32, #tpu.memory_space<vmem>>, vector<16xf32>,
    tpu.vector_store %arg7[%swap3A_374, %swap3A_375], %gather3A_372 {strides = array<i32>} : memref<16x128xf32, #tpu.memory_space<vmem>>, vector<16xf32>,
    %get3A_377 = arith.constant 80 : index
    %get3A_378 = tpu.vector_load %arg6[%get3A_377] {strides = array<i32>} : memref<272xi32, #tpu.memory_space<vmem>>, vector<16xi32>,
    %gather3A_379 = tpu.vector_load_idx %arg5[%broadcast_in_dim3A, %broadcast_in_dim3A_341, %get3A_378] : memref<32x5x5xf32, #tpu.memory_space<vmem>>[vector<16xi32>, vector<16xi32>, vector<16xi32>], vector<16xf32>,
    %swap3A_380 = arith.constant 6 : i32
    %swap3A_381 = arith.index_cast %swap3A_380 : i32 to index
    %swap3A_382 = arith.constant 80 : index
    %swap3A_383 = tpu.vector_load %arg7[%swap3A_381, %swap3A_382] {strides = array<i32>} : memref<16x128xf32, #tpu.memory_space<vmem>>, vector<16xf32>,
    tpu.vector_store %arg7[%swap3A_381, %swap3A_382], %gather3A_379 {strides = array<i32>} : memref<16x128xf32, #tpu.memory_space<vmem>>, vector<16xf32>,
    %get3A_384 = arith.constant 96 : index
    %get3A_385 = tpu.vector_load %arg6[%get3A_384] {strides = array<i32>} : memref<272xi32, #tpu.memory_space<vmem>>, vector<16xi32>,
    %gather3A_386 = tpu.vector_load_idx %arg5[%broadcast_in_dim3A, %broadcast_in_dim3A_341, %get3A_385] : memref<32x5x5xf32, #tpu.memory_space<vmem>>[vector<16xi32>, vector<16xi32>, vector<16xi32>], vector<16xf32>,
    %swap3A_387 = arith.constant 6 : i32
    %swap3A_388 = arith.index_cast %swap3A_387 : i32 to index
    %swap3A_389 = arith.constant 96 : index
    %swap3A_390 = tpu.vector_load %arg7[%swap3A_388, %swap3A_389] {strides = array<i32>} : memref<16x128xf32, #tpu.memory_space<vmem>>, vector<16xf32>,
    tpu.vector_store %arg7[%swap3A_388, %swap3A_389], %gather3A_386 {strides = array<i32>} : memref<16x128xf32, #tpu.memory_space<vmem>>, vector<16xf32>,
    %get3A_391 = arith.constant 112 : index
    %get3A_392 = tpu.vector_load %arg6[%get3A_391] {strides = array<i32>} : memref<272xi32, #tpu.memory_space<vmem>>, vector<16xi32>,
    %gather3A_393 = tpu.vector_load_idx %arg5[%broadcast_in_dim3A, %broadcast_in_dim3A_341, %get3A_392] : memref<32x5x5xf32, #tpu.memory_space<vmem>>[vector<16xi32>, vector<16xi32>, vector<16xi32>], vector<16xf32>,
    %swap3A_394 = arith.constant 6 : i32
    %swap3A_395 = arith.index_cast %swap3A_394 : i32 to index
    %swap3A_396 = arith.constant 112 : index
    %swap3A_397 = tpu.vector_load %arg7[%swap3A_395, %swap3A_396] {strides = array<i32>} : memref<16x128xf32, #tpu.memory_space<vmem>>, vector<16xf32>,
    tpu.vector_store %arg7[%swap3A_395, %swap3A_396], %gather3A_393 {strides = array<i32>} : memref<16x128xf32, #tpu.memory_space<vmem>>, vector<16xf32>,
    %get3A_398 = arith.constant 128 : index
    %get3A_399 = tpu.vector_load %arg6[%get3A_398] {strides = array<i32>} : memref<272xi32, #tpu.memory_space<vmem>>, vector<16xi32>,
    %gather3A_400 = tpu.vector_load_idx %arg5[%broadcast_in_dim3A, %broadcast_in_dim3A_341, %get3A_399] : memref<32x5x5xf32, #tpu.memory_space<vmem>>[vector<16xi32>, vector<16xi32>, vector<16xi32>], vector<16xf32>,
    %swap3A_401 = arith.constant 7 : i32
    %swap3A_402 = arith.index_cast %swap3A_401 : i32 to index
    %swap3A_403 = arith.constant 0 : index
    %swap3A_404 = tpu.vector_load %arg7[%swap3A_402, %swap3A_403] {strides = array<i32>} : memref<16x128xf32, #tpu.memory_space<vmem>>, vector<16xf32>,
    tpu.vector_store %arg7[%swap3A_402, %swap3A_403], %gather3A_400 {strides = array<i32>} : memref<16x128xf32, #tpu.memory_space<vmem>>, vector<16xf32>,
    %get3A_405 = arith.constant 144 : index
    %get3A_406 = tpu.vector_load %arg6[%get3A_405] {strides = array<i32>} : memref<272xi32, #tpu.memory_space<vmem>>, vector<16xi32>,
    %gather3A_407 = tpu.vector_load_idx %arg5[%broadcast_in_dim3A, %broadcast_in_dim3A_341, %get3A_406] : memref<32x5x5xf32, #tpu.memory_space<vmem>>[vector<16xi32>, vector<16xi32>, vector<16xi32>], vector<16xf32>,
    %swap3A_408 = arith.constant 7 : i32
    %swap3A_409 = arith.index_cast %swap3A_408 : i32 to index
    %swap3A_410 = arith.constant 16 : index
    %swap3A_411 = tpu.vector_load %arg7[%swap3A_409, %swap3A_410] {strides = array<i32>} : memref<16x128xf32, #tpu.memory_space<vmem>>, vector<16xf32>,
    tpu.vector_store %arg7[%swap3A_409, %swap3A_410], %gather3A_407 {strides = array<i32>} : memref<16x128xf32, #tpu.memory_space<vmem>>, vector<16xf32>,
    %get3A_412 = arith.constant 160 : index
    %get3A_413 = tpu.vector_load %arg6[%get3A_412] {strides = array<i32>} : memref<272xi32, #tpu.memory_space<vmem>>, vector<16xi32>,
    %gather3A_414 = tpu.vector_load_idx %arg5[%broadcast_in_dim3A, %broadcast_in_dim3A_341, %get3A_413] : memref<32x5x5xf32, #tpu.memory_space<vmem>>[vector<16xi32>, vector<16xi32>, vector<16xi32>], vector<16xf32>,
    %swap3A_415 = arith.constant 7 : i32
    %swap3A_416 = arith.index_cast %swap3A_415 : i32 to index
    %swap3A_417 = arith.constant 32 : index
    %swap3A_418 = tpu.vector_load %arg7[%swap3A_416, %swap3A_417] {strides = array<i32>} : memref<16x128xf32, #tpu.memory_space<vmem>>, vector<16xf32>,
    tpu.vector_store %arg7[%swap3A_416, %swap3A_417], %gather3A_414 {strides = array<i32>} : memref<16x128xf32, #tpu.memory_space<vmem>>, vector<16xf32>,
    %get3A_419 = arith.constant 176 : index
    %get3A_420 = tpu.vector_load %arg6[%get3A_419] {strides = array<i32>} : memref<272xi32, #tpu.memory_space<vmem>>, vector<16xi32>,
    %gather3A_421 = tpu.vector_load_idx %arg5[%broadcast_in_dim3A, %broadcast_in_dim3A_341, %get3A_420] : memref<32x5x5xf32, #tpu.memory_space<vmem>>[vector<16xi32>, vector<16xi32>, vector<16xi32>], vector<16xf32>,
    %swap3A_422 = arith.constant 7 : i32
    %swap3A_423 = arith.index_cast %swap3A_422 : i32 to index
    %swap3A_424 = arith.constant 48 : index
    %swap3A_425 = tpu.vector_load %arg7[%swap3A_423, %swap3A_424] {strides = array<i32>} : memref<16x128xf32, #tpu.memory_space<vmem>>, vector<16xf32>,
    tpu.vector_store %arg7[%swap3A_423, %swap3A_424], %gather3A_421 {strides = array<i32>} : memref<16x128xf32, #tpu.memory_space<vmem>>, vector<16xf32>,
    %get3A_426 = arith.constant 192 : index
    %get3A_427 = tpu.vector_load %arg6[%get3A_426] {strides = array<i32>} : memref<272xi32, #tpu.memory_space<vmem>>, vector<16xi32>,
    %gather3A_428 = tpu.vector_load_idx %arg5[%broadcast_in_dim3A, %broadcast_in_dim3A_341, %get3A_427] : memref<32x5x5xf32, #tpu.memory_space<vmem>>[vector<16xi32>, vector<16xi32>, vector<16xi32>], vector<16xf32>,
    %swap3A_429 = arith.constant 7 : i32
    %swap3A_430 = arith.index_cast %swap3A_429 : i32 to index
    %swap3A_431 = arith.constant 64 : index
    %swap3A_432 = tpu.vector_load %arg7[%swap3A_430, %swap3A_431] {strides = array<i32>} : memref<16x128xf32, #tpu.memory_space<vmem>>, vector<16xf32>,
    tpu.vector_store %arg7[%swap3A_430, %swap3A_431], %gather3A_428 {strides = array<i32>} : memref<16x128xf32, #tpu.memory_space<vmem>>, vector<16xf32>,
    %get3A_433 = arith.constant 208 : index
    %get3A_434 = tpu.vector_load %arg6[%get3A_433] {strides = array<i32>} : memref<272xi32, #tpu.memory_space<vmem>>, vector<16xi32>,
    %gather3A_435 = tpu.vector_load_idx %arg5[%broadcast_in_dim3A, %broadcast_in_dim3A_341, %get3A_434] : memref<32x5x5xf32, #tpu.memory_space<vmem>>[vector<16xi32>, vector<16xi32>, vector<16xi32>], vector<16xf32>,
    %swap3A_436 = arith.constant 7 : i32
    %swap3A_437 = arith.index_cast %swap3A_436 : i32 to index
    %swap3A_438 = arith.constant 80 : index
    %swap3A_439 = tpu.vector_load %arg7[%swap3A_437, %swap3A_438] {strides = array<i32>} : memref<16x128xf32, #tpu.memory_space<vmem>>, vector<16xf32>,
    tpu.vector_store %arg7[%swap3A_437, %swap3A_438], %gather3A_435 {strides = array<i32>} : memref<16x128xf32, #tpu.memory_space<vmem>>, vector<16xf32>,
    %get3A_440 = arith.constant 224 : index
    %get3A_441 = tpu.vector_load %arg6[%get3A_440] {strides = array<i32>} : memref<272xi32, #tpu.memory_space<vmem>>, vector<16xi32>,
    %gather3A_442 = tpu.vector_load_idx %arg5[%broadcast_in_dim3A, %broadcast_in_dim3A_341, %get3A_441] : memref<32x5x5xf32, #tpu.memory_space<vmem>>[vector<16xi32>, vector<16xi32>, vector<16xi32>], vector<16xf32>,
    %swap3A_443 = arith.constant 7 : i32
    %swap3A_444 = arith.index_cast %swap3A_443 : i32 to index
    %swap3A_445 = arith.constant 96 : index
    %swap3A_446 = tpu.vector_load %arg7[%swap3A_444, %swap3A_445] {strides = array<i32>} : memref<16x128xf32, #tpu.memory_space<vmem>>, vector<16xf32>,
    tpu.vector_store %arg7[%swap3A_444, %swap3A_445], %gather3A_442 {strides = array<i32>} : memref<16x128xf32, #tpu.memory_space<vmem>>, vector<16xf32>,
    %get3A_447 = arith.constant 240 : index
    %get3A_448 = tpu.vector_load %arg6[%get3A_447] {strides = array<i32>} : memref<272xi32, #tpu.memory_space<vmem>>, vector<16xi32>,
    %gather3A_449 = tpu.vector_load_idx %arg5[%broadcast_in_dim3A, %broadcast_in_dim3A_341, %get3A_448] : memref<32x5x5xf32, #tpu.memory_space<vmem>>[vector<16xi32>, vector<16xi32>, vector<16xi32>], vector<16xf32>,
    %swap3A_450 = arith.constant 7 : i32
    %swap3A_451 = arith.index_cast %swap3A_450 : i32 to index
    %swap3A_452 = arith.constant 112 : index
    %swap3A_453 = tpu.vector_load %arg7[%swap3A_451, %swap3A_452] {strides = array<i32>} : memref<16x128xf32, #tpu.memory_space<vmem>>, vector<16xf32>,
    tpu.vector_store %arg7[%swap3A_451, %swap3A_452], %gather3A_449 {strides = array<i32>} : memref<16x128xf32, #tpu.memory_space<vmem>>, vector<16xf32>,
    %broadcast_in_dim3A_454 = arith.constant 4 : i32
    %broadcast_in_dim3A_455 = vector.broadcast %broadcast_in_dim3A_454 : i32 to vector<16xi32>
    %get3A_456 = arith.constant 0 : index
    %get3A_457 = tpu.vector_load %arg6[%get3A_456] {strides = array<i32>} : memref<272xi32, #tpu.memory_space<vmem>>, vector<16xi32>,
    %gather3A_458 = tpu.vector_load_idx %arg5[%broadcast_in_dim3A, %broadcast_in_dim3A_455, %get3A_457] : memref<32x5x5xf32, #tpu.memory_space<vmem>>[vector<16xi32>, vector<16xi32>, vector<16xi32>], vector<16xf32>,
    %swap3A_459 = arith.constant 8 : i32
    %swap3A_460 = arith.index_cast %swap3A_459 : i32 to index
    %swap3A_461 = arith.constant 0 : index
    %swap3A_462 = tpu.vector_load %arg7[%swap3A_460, %swap3A_461] {strides = array<i32>} : memref<16x128xf32, #tpu.memory_space<vmem>>, vector<16xf32>,
    tpu.vector_store %arg7[%swap3A_460, %swap3A_461], %gather3A_458 {strides = array<i32>} : memref<16x128xf32, #tpu.memory_space<vmem>>, vector<16xf32>,
    %get3A_463 = arith.constant 16 : index
    %get3A_464 = tpu.vector_load %arg6[%get3A_463] {strides = array<i32>} : memref<272xi32, #tpu.memory_space<vmem>>, vector<16xi32>,
    %gather3A_465 = tpu.vector_load_idx %arg5[%broadcast_in_dim3A, %broadcast_in_dim3A_455, %get3A_464] : memref<32x5x5xf32, #tpu.memory_space<vmem>>[vector<16xi32>, vector<16xi32>, vector<16xi32>], vector<16xf32>,
    %swap3A_466 = arith.constant 8 : i32
    %swap3A_467 = arith.index_cast %swap3A_466 : i32 to index
    %swap3A_468 = arith.constant 16 : index
    %swap3A_469 = tpu.vector_load %arg7[%swap3A_467, %swap3A_468] {strides = array<i32>} : memref<16x128xf32, #tpu.memory_space<vmem>>, vector<16xf32>,
    tpu.vector_store %arg7[%swap3A_467, %swap3A_468], %gather3A_465 {strides = array<i32>} : memref<16x128xf32, #tpu.memory_space<vmem>>, vector<16xf32>,
    %get3A_470 = arith.constant 32 : index
    %get3A_471 = tpu.vector_load %arg6[%get3A_470] {strides = array<i32>} : memref<272xi32, #tpu.memory_space<vmem>>, vector<16xi32>,
    %gather3A_472 = tpu.vector_load_idx %arg5[%broadcast_in_dim3A, %broadcast_in_dim3A_455, %get3A_471] : memref<32x5x5xf32, #tpu.memory_space<vmem>>[vector<16xi32>, vector<16xi32>, vector<16xi32>], vector<16xf32>,
    %swap3A_473 = arith.constant 8 : i32
    %swap3A_474 = arith.index_cast %swap3A_473 : i32 to index
    %swap3A_475 = arith.constant 32 : index
    %swap3A_476 = tpu.vector_load %arg7[%swap3A_474, %swap3A_475] {strides = array<i32>} : memref<16x128xf32, #tpu.memory_space<vmem>>, vector<16xf32>,
    tpu.vector_store %arg7[%swap3A_474, %swap3A_475], %gather3A_472 {strides = array<i32>} : memref<16x128xf32, #tpu.memory_space<vmem>>, vector<16xf32>,
    %get3A_477 = arith.constant 48 : index
    %get3A_478 = tpu.vector_load %arg6[%get3A_477] {strides = array<i32>} : memref<272xi32, #tpu.memory_space<vmem>>, vector<16xi32>,
    %gather3A_479 = tpu.vector_load_idx %arg5[%broadcast_in_dim3A, %broadcast_in_dim3A_455, %get3A_478] : memref<32x5x5xf32, #tpu.memory_space<vmem>>[vector<16xi32>, vector<16xi32>, vector<16xi32>], vector<16xf32>,
    %swap3A_480 = arith.constant 8 : i32
    %swap3A_481 = arith.index_cast %swap3A_480 : i32 to index
    %swap3A_482 = arith.constant 48 : index
    %swap3A_483 = tpu.vector_load %arg7[%swap3A_481, %swap3A_482] {strides = array<i32>} : memref<16x128xf32, #tpu.memory_space<vmem>>, vector<16xf32>,
    tpu.vector_store %arg7[%swap3A_481, %swap3A_482], %gather3A_479 {strides = array<i32>} : memref<16x128xf32, #tpu.memory_space<vmem>>, vector<16xf32>,
    %get3A_484 = arith.constant 64 : index
    %get3A_485 = tpu.vector_load %arg6[%get3A_484] {strides = array<i32>} : memref<272xi32, #tpu.memory_space<vmem>>, vector<16xi32>,
    %gather3A_486 = tpu.vector_load_idx %arg5[%broadcast_in_dim3A, %broadcast_in_dim3A_455, %get3A_485] : memref<32x5x5xf32, #tpu.memory_space<vmem>>[vector<16xi32>, vector<16xi32>, vector<16xi32>], vector<16xf32>,
    %swap3A_487 = arith.constant 8 : i32
    %swap3A_488 = arith.index_cast %swap3A_487 : i32 to index
    %swap3A_489 = arith.constant 64 : index
    %swap3A_490 = tpu.vector_load %arg7[%swap3A_488, %swap3A_489] {strides = array<i32>} : memref<16x128xf32, #tpu.memory_space<vmem>>, vector<16xf32>,
    tpu.vector_store %arg7[%swap3A_488, %swap3A_489], %gather3A_486 {strides = array<i32>} : memref<16x128xf32, #tpu.memory_space<vmem>>, vector<16xf32>,
    %get3A_491 = arith.constant 80 : index
    %get3A_492 = tpu.vector_load %arg6[%get3A_491] {strides = array<i32>} : memref<272xi32, #tpu.memory_space<vmem>>, vector<16xi32>,
    %gather3A_493 = tpu.vector_load_idx %arg5[%broadcast_in_dim3A, %broadcast_in_dim3A_455, %get3A_492] : memref<32x5x5xf32, #tpu.memory_space<vmem>>[vector<16xi32>, vector<16xi32>, vector<16xi32>], vector<16xf32>,
    %swap3A_494 = arith.constant 8 : i32
    %swap3A_495 = arith.index_cast %swap3A_494 : i32 to index
    %swap3A_496 = arith.constant 80 : index
    %swap3A_497 = tpu.vector_load %arg7[%swap3A_495, %swap3A_496] {strides = array<i32>} : memref<16x128xf32, #tpu.memory_space<vmem>>, vector<16xf32>,
    tpu.vector_store %arg7[%swap3A_495, %swap3A_496], %gather3A_493 {strides = array<i32>} : memref<16x128xf32, #tpu.memory_space<vmem>>, vector<16xf32>,
    %get3A_498 = arith.constant 96 : index
    %get3A_499 = tpu.vector_load %arg6[%get3A_498] {strides = array<i32>} : memref<272xi32, #tpu.memory_space<vmem>>, vector<16xi32>,
    %gather3A_500 = tpu.vector_load_idx %arg5[%broadcast_in_dim3A, %broadcast_in_dim3A_455, %get3A_499] : memref<32x5x5xf32, #tpu.memory_space<vmem>>[vector<16xi32>, vector<16xi32>, vector<16xi32>], vector<16xf32>,
    %swap3A_501 = arith.constant 8 : i32
    %swap3A_502 = arith.index_cast %swap3A_501 : i32 to index
    %swap3A_503 = arith.constant 96 : index
    %swap3A_504 = tpu.vector_load %arg7[%swap3A_502, %swap3A_503] {strides = array<i32>} : memref<16x128xf32, #tpu.memory_space<vmem>>, vector<16xf32>,
    tpu.vector_store %arg7[%swap3A_502, %swap3A_503], %gather3A_500 {strides = array<i32>} : memref<16x128xf32, #tpu.memory_space<vmem>>, vector<16xf32>,
    %get3A_505 = arith.constant 112 : index
    %get3A_506 = tpu.vector_load %arg6[%get3A_505] {strides = array<i32>} : memref<272xi32, #tpu.memory_space<vmem>>, vector<16xi32>,
    %gather3A_507 = tpu.vector_load_idx %arg5[%broadcast_in_dim3A, %broadcast_in_dim3A_455, %get3A_506] : memref<32x5x5xf32, #tpu.memory_space<vmem>>[vector<16xi32>, vector<16xi32>, vector<16xi32>], vector<16xf32>,
    %swap3A_508 = arith.constant 8 : i32
    %swap3A_509 = arith.index_cast %swap3A_508 : i32 to index
    %swap3A_510 = arith.constant 112 : index
    %swap3A_511 = tpu.vector_load %arg7[%swap3A_509, %swap3A_510] {strides = array<i32>} : memref<16x128xf32, #tpu.memory_space<vmem>>, vector<16xf32>,
    tpu.vector_store %arg7[%swap3A_509, %swap3A_510], %gather3A_507 {strides = array<i32>} : memref<16x128xf32, #tpu.memory_space<vmem>>, vector<16xf32>,
    %get3A_512 = arith.constant 128 : index
    %get3A_513 = tpu.vector_load %arg6[%get3A_512] {strides = array<i32>} : memref<272xi32, #tpu.memory_space<vmem>>, vector<16xi32>,
    %gather3A_514 = tpu.vector_load_idx %arg5[%broadcast_in_dim3A, %broadcast_in_dim3A_455, %get3A_513] : memref<32x5x5xf32, #tpu.memory_space<vmem>>[vector<16xi32>, vector<16xi32>, vector<16xi32>], vector<16xf32>,
    %swap3A_515 = arith.constant 9 : i32
    %swap3A_516 = arith.index_cast %swap3A_515 : i32 to index
    %swap3A_517 = arith.constant 0 : index
    %swap3A_518 = tpu.vector_load %arg7[%swap3A_516, %swap3A_517] {strides = array<i32>} : memref<16x128xf32, #tpu.memory_space<vmem>>, vector<16xf32>,
    tpu.vector_store %arg7[%swap3A_516, %swap3A_517], %gather3A_514 {strides = array<i32>} : memref<16x128xf32, #tpu.memory_space<vmem>>, vector<16xf32>,
    %get3A_519 = arith.constant 144 : index
    %get3A_520 = tpu.vector_load %arg6[%get3A_519] {strides = array<i32>} : memref<272xi32, #tpu.memory_space<vmem>>, vector<16xi32>,
    %gather3A_521 = tpu.vector_load_idx %arg5[%broadcast_in_dim3A, %broadcast_in_dim3A_455, %get3A_520] : memref<32x5x5xf32, #tpu.memory_space<vmem>>[vector<16xi32>, vector<16xi32>, vector<16xi32>], vector<16xf32>,
    %swap3A_522 = arith.constant 9 : i32
    %swap3A_523 = arith.index_cast %swap3A_522 : i32 to index
    %swap3A_524 = arith.constant 16 : index
    %swap3A_525 = tpu.vector_load %arg7[%swap3A_523, %swap3A_524] {strides = array<i32>} : memref<16x128xf32, #tpu.memory_space<vmem>>, vector<16xf32>,
    tpu.vector_store %arg7[%swap3A_523, %swap3A_524], %gather3A_521 {strides = array<i32>} : memref<16x128xf32, #tpu.memory_space<vmem>>, vector<16xf32>,
    %get3A_526 = arith.constant 160 : index
    %get3A_527 = tpu.vector_load %arg6[%get3A_526] {strides = array<i32>} : memref<272xi32, #tpu.memory_space<vmem>>, vector<16xi32>,
    %gather3A_528 = tpu.vector_load_idx %arg5[%broadcast_in_dim3A, %broadcast_in_dim3A_455, %get3A_527] : memref<32x5x5xf32, #tpu.memory_space<vmem>>[vector<16xi32>, vector<16xi32>, vector<16xi32>], vector<16xf32>,
    %swap3A_529 = arith.constant 9 : i32
    %swap3A_530 = arith.index_cast %swap3A_529 : i32 to index
    %swap3A_531 = arith.constant 32 : index
    %swap3A_532 = tpu.vector_load %arg7[%swap3A_530, %swap3A_531] {strides = array<i32>} : memref<16x128xf32, #tpu.memory_space<vmem>>, vector<16xf32>,
    tpu.vector_store %arg7[%swap3A_530, %swap3A_531], %gather3A_528 {strides = array<i32>} : memref<16x128xf32, #tpu.memory_space<vmem>>, vector<16xf32>,
    %get3A_533 = arith.constant 176 : index
    %get3A_534 = tpu.vector_load %arg6[%get3A_533] {strides = array<i32>} : memref<272xi32, #tpu.memory_space<vmem>>, vector<16xi32>,
    %gather3A_535 = tpu.vector_load_idx %arg5[%broadcast_in_dim3A, %broadcast_in_dim3A_455, %get3A_534] : memref<32x5x5xf32, #tpu.memory_space<vmem>>[vector<16xi32>, vector<16xi32>, vector<16xi32>], vector<16xf32>,
    %swap3A_536 = arith.constant 9 : i32
    %swap3A_537 = arith.index_cast %swap3A_536 : i32 to index
    %swap3A_538 = arith.constant 48 : index
    %swap3A_539 = tpu.vector_load %arg7[%swap3A_537, %swap3A_538] {strides = array<i32>} : memref<16x128xf32, #tpu.memory_space<vmem>>, vector<16xf32>,
    tpu.vector_store %arg7[%swap3A_537, %swap3A_538], %gather3A_535 {strides = array<i32>} : memref<16x128xf32, #tpu.memory_space<vmem>>, vector<16xf32>,
    %get3A_540 = arith.constant 192 : index
    %get3A_541 = tpu.vector_load %arg6[%get3A_540] {strides = array<i32>} : memref<272xi32, #tpu.memory_space<vmem>>, vector<16xi32>,
    %gather3A_542 = tpu.vector_load_idx %arg5[%broadcast_in_dim3A, %broadcast_in_dim3A_455, %get3A_541] : memref<32x5x5xf32, #tpu.memory_space<vmem>>[vector<16xi32>, vector<16xi32>, vector<16xi32>], vector<16xf32>,
    %swap3A_543 = arith.constant 9 : i32
    %swap3A_544 = arith.index_cast %swap3A_543 : i32 to index
    %swap3A_545 = arith.constant 64 : index
    %swap3A_546 = tpu.vector_load %arg7[%swap3A_544, %swap3A_545] {strides = array<i32>} : memref<16x128xf32, #tpu.memory_space<vmem>>, vector<16xf32>,
    tpu.vector_store %arg7[%swap3A_544, %swap3A_545], %gather3A_542 {strides = array<i32>} : memref<16x128xf32, #tpu.memory_space<vmem>>, vector<16xf32>,
    %get3A_547 = arith.constant 208 : index
    %get3A_548 = tpu.vector_load %arg6[%get3A_547] {strides = array<i32>} : memref<272xi32, #tpu.memory_space<vmem>>, vector<16xi32>,
    %gather3A_549 = tpu.vector_load_idx %arg5[%broadcast_in_dim3A, %broadcast_in_dim3A_455, %get3A_548] : memref<32x5x5xf32, #tpu.memory_space<vmem>>[vector<16xi32>, vector<16xi32>, vector<16xi32>], vector<16xf32>,
    %swap3A_550 = arith.constant 9 : i32
    %swap3A_551 = arith.index_cast %swap3A_550 : i32 to index
    %swap3A_552 = arith.constant 80 : index
    %swap3A_553 = tpu.vector_load %arg7[%swap3A_551, %swap3A_552] {strides = array<i32>} : memref<16x128xf32, #tpu.memory_space<vmem>>, vector<16xf32>,
    tpu.vector_store %arg7[%swap3A_551, %swap3A_552], %gather3A_549 {strides = array<i32>} : memref<16x128xf32, #tpu.memory_space<vmem>>, vector<16xf32>,
    %get3A_554 = arith.constant 224 : index
    %get3A_555 = tpu.vector_load %arg6[%get3A_554] {strides = array<i32>} : memref<272xi32, #tpu.memory_space<vmem>>, vector<16xi32>,
    %gather3A_556 = tpu.vector_load_idx %arg5[%broadcast_in_dim3A, %broadcast_in_dim3A_455, %get3A_555] : memref<32x5x5xf32, #tpu.memory_space<vmem>>[vector<16xi32>, vector<16xi32>, vector<16xi32>], vector<16xf32>,
    %swap3A_557 = arith.constant 9 : i32
    %swap3A_558 = arith.index_cast %swap3A_557 : i32 to index
    %swap3A_559 = arith.constant 96 : index
    %swap3A_560 = tpu.vector_load %arg7[%swap3A_558, %swap3A_559] {strides = array<i32>} : memref<16x128xf32, #tpu.memory_space<vmem>>, vector<16xf32>,
    tpu.vector_store %arg7[%swap3A_558, %swap3A_559], %gather3A_556 {strides = array<i32>} : memref<16x128xf32, #tpu.memory_space<vmem>>, vector<16xf32>,
    %get3A_561 = arith.constant 240 : index
    %get3A_562 = tpu.vector_load %arg6[%get3A_561] {strides = array<i32>} : memref<272xi32, #tpu.memory_space<vmem>>, vector<16xi32>,
    %gather3A_563 = tpu.vector_load_idx %arg5[%broadcast_in_dim3A, %broadcast_in_dim3A_455, %get3A_562] : memref<32x5x5xf32, #tpu.memory_space<vmem>>[vector<16xi32>, vector<16xi32>, vector<16xi32>], vector<16xf32>,
    %swap3A_564 = arith.constant 9 : i32
    %swap3A_565 = arith.index_cast %swap3A_564 : i32 to index
    %swap3A_566 = arith.constant 112 : index
    %swap3A_567 = tpu.vector_load %arg7[%swap3A_565, %swap3A_566] {strides = array<i32>} : memref<16x128xf32, #tpu.memory_space<vmem>>, vector<16xf32>,
    tpu.vector_store %arg7[%swap3A_565, %swap3A_566], %gather3A_563 {strides = array<i32>} : memref<16x128xf32, #tpu.memory_space<vmem>>, vector<16xf32>,
    %mul3A_568 = arith.constant 16 : i32
    %mul3A_569 = arith.muli %arg1, %mul3A_568 : i32
    "tpu.region"() ({
      %run_scoped3A = tpu.sem_alloc : memref<!tpu.dma_semaphore, #tpu.memory_space<semaphore_mem>>
      %dma_start3A_1395 = arith.constant 0 : i32
      %dma_start3A_1396 = tpu.memref_slice %arg10[%mul3A_569, %dma_start3A_1395] : memref<256x128xf32, #tpu.memory_space<vmem_shared>> -> memref<16x128xf32, #tpu.memory_space<vmem_shared>>
      %dma_start3A_1397 = arith.constant 0 : i32
      %dma_start3A_1398 = tpu.memref_slice %arg10[%mul3A_569, %dma_start3A_1397] : memref<256x128xf32, #tpu.memory_space<vmem_shared>> -> memref<16x128xf32, #tpu.memory_space<vmem_shared>>
      tpu.enqueue_dma source(%arg7 : memref<16x128xf32, #tpu.memory_space<vmem>>) target(%dma_start3A_1398 : memref<16x128xf32, #tpu.memory_space<vmem_shared>>) target_semaphore(%run_scoped3A : memref<!tpu.dma_semaphore, #tpu.memory_space<semaphore_mem>>)
      %dma_wait3A_1399 = arith.constant 0 : i32
      %dma_wait3A_1400 = tpu.memref_slice %arg10[%mul3A_569, %dma_wait3A_1399] : memref<256x128xf32, #tpu.memory_space<vmem_shared>> -> memref<16x128xf32, #tpu.memory_space<vmem_shared>>
      %dma_wait3A_1401 = arith.constant 0 : i32
      %dma_wait3A_1402 = tpu.memref_slice %arg10[%mul3A_569, %dma_wait3A_1401] : memref<256x128xf32, #tpu.memory_space<vmem_shared>> -> memref<16x128xf32, #tpu.memory_space<vmem_shared>>
      tpu.wait_dma2 semaphore(%run_scoped3A : memref<!tpu.dma_semaphore, #tpu.memory_space<semaphore_mem>>) src(%arg7 : memref<16x128xf32, #tpu.memory_space<vmem>>) dst(%dma_wait3A_1402 : memref<16x128xf32, #tpu.memory_space<vmem_shared>>)
      tpu.yield
    }) : () -> ()
    %iota3A = tpu.iota {dimensions = array<i32: 0>} : vector<16xi32>
    %jit3A = arith.constant 8 : i32
    %eq3A = arith.constant 0 : i32
    %eq3A_570 = arith.cmpi eq, %jit3A, %eq3A : i32
    %jit3A_571 = arith.constant 1 : i32
    %select_n3A = arith.select %eq3A_570, %jit3A_571, %jit3A : i32
    %rem3A = vector.broadcast %select_n3A : i32 to vector<16xi32>
    %rem3A_572 = arith.remsi %iota3A, %rem3A : vector<16xi32>
    %ne3A = arith.constant 0 : i32
    %ne3A_573 = vector.broadcast %ne3A : i32 to vector<16xi32>
    %ne3A_574 = arith.cmpi ne, %rem3A_572, %ne3A_573 : vector<16xi32>
    %lt3A = arith.constant 0 : i32
    %lt3A_575 = vector.broadcast %lt3A : i32 to vector<16xi32>
    %lt3A_576 = arith.cmpi slt, %rem3A_572, %lt3A_575 : vector<16xi32>
    %lt3A_577 = arith.constant 0 : i32
    %lt3A_578 = arith.cmpi slt, %select_n3A, %lt3A_577 : i32
    %ne3A_579 = vector.broadcast %lt3A_578 : i1 to vector<16xi1>
    %ne3A_580 = vector.broadcast %ne3A_579 : vector<16xi1> to vector<16xi1>
    %ne3A_581 = arith.xori %lt3A_576, %ne3A_580 : vector<16xi1>
    %and3A = arith.andi %ne3A_581, %ne3A_574 : vector<16xi1>
    %add3A_582 = vector.broadcast %select_n3A : i32 to vector<16xi32>
    %add3A_583 = arith.addi %rem3A_572, %add3A_582 : vector<16xi32>
    %select_n3A_584 = arith.select %and3A, %add3A_583, %rem3A_572 : vector<16xi1>, vector<16xi32>
    %jit3A_585 = arith.constant 8 : i32
    %div3A = vector.broadcast %jit3A_585 : i32 to vector<16xi32>
    %div3A_586 = arith.divsi %iota3A, %div3A : vector<16xi32>
    %sign3A = arith.constant 0 : i32
    %sign3A_587 = vector.broadcast %sign3A : i32 to vector<16xi32>
    %sign3A_588 = arith.cmpi sgt, %iota3A, %sign3A_587 : vector<16xi32>
    %sign3A_589 = arith.extui %sign3A_588 : vector<16xi1> to vector<16xi32>
    %sign3A_590 = arith.constant 0 : i32
    %sign3A_591 = vector.broadcast %sign3A_590 : i32 to vector<16xi32>
    %sign3A_592 = arith.cmpi slt, %iota3A, %sign3A_591 : vector<16xi32>
    %sign3A_593 = arith.extui %sign3A_592 : vector<16xi1> to vector<16xi32>
    %sign3A_594 = arith.subi %sign3A_589, %sign3A_593 : vector<16xi32>
    %sign3A_595 = arith.constant 0 : i32
    %sign3A_596 = arith.cmpi sgt, %jit3A_585, %sign3A_595 : i32
    %sign3A_597 = arith.extui %sign3A_596 : i1 to i32
    %sign3A_598 = arith.constant 0 : i32
    %sign3A_599 = arith.cmpi slt, %jit3A_585, %sign3A_598 : i32
    %sign3A_600 = arith.extui %sign3A_599 : i1 to i32
    %sign3A_601 = arith.subi %sign3A_597, %sign3A_600 : i32
    %ne3A_602 = vector.broadcast %sign3A_601 : i32 to vector<16xi32>
    %ne3A_603 = arith.cmpi ne, %sign3A_594, %ne3A_602 : vector<16xi32>
    %rem3A_604 = vector.broadcast %jit3A_585 : i32 to vector<16xi32>
    %rem3A_605 = arith.remsi %iota3A, %rem3A_604 : vector<16xi32>
    %ne3A_606 = arith.constant 0 : i32
    %ne3A_607 = vector.broadcast %ne3A_606 : i32 to vector<16xi32>
    %ne3A_608 = arith.cmpi ne, %rem3A_605, %ne3A_607 : vector<16xi32>
    %and3A_609 = arith.andi %ne3A_603, %ne3A_608 : vector<16xi1>
    %sub3A = arith.constant 1 : i32
    %sub3A_610 = vector.broadcast %sub3A : i32 to vector<16xi32>
    %sub3A_611 = arith.subi %div3A_586, %sub3A_610 : vector<16xi32>
    %select_n3A_612 = arith.select %and3A_609, %sub3A_611, %div3A_586 : vector<16xi1>, vector<16xi32>
    %get3A_613 = arith.constant 0 : index
    %get3A_614 = tpu.vector_load %arg6[%get3A_613] {strides = array<i32>} : memref<272xi32, #tpu.memory_space<vmem>>, vector<16xi32>,
    %broadcast_in_dim3A_615 = vector.shape_cast %select_n3A_584 : vector<16xi32> to vector<16x1xi32>
    %gather3A_616 = vector.shape_cast %broadcast_in_dim3A_615 : vector<16x1xi32> to vector<16xi32>
    %gather3A_617 = tpu.dynamic_gather %get3A_614[%gather3A_616] in [0] : vector<16xi32>, vector<16xi32> -> vector<16xi32>
    %mul3A_618 = arith.constant 2 : i32
    %mul3A_619 = vector.broadcast %mul3A_618 : i32 to vector<16xi32>
    %mul3A_620 = arith.muli %gather3A_617, %mul3A_619 : vector<16xi32>
    %add3A_621 = arith.addi %mul3A_620, %select_n3A_612 : vector<16xi32>
    %mul3A_622 = arith.constant 16 : i32
    %mul3A_623 = arith.muli %arg1, %mul3A_622 : i32
    %add3A_624 = vector.broadcast %mul3A_623 : i32 to vector<16xi32>
    %add3A_625 = arith.addi %add3A_621, %add3A_624 : vector<16xi32>
    %swap3A_626 = arith.constant 0 : i32
    %swap3A_627 = arith.index_cast %swap3A_626 : i32 to index
    %swap3A_628 = arith.constant 0 : index
    %swap3A_629 = tpu.vector_load %arg8[%swap3A_627, %swap3A_628] {strides = array<i32>} : memref<4x128xi32, #tpu.memory_space<vmem>>, vector<16xi32>,
    tpu.vector_store %arg8[%swap3A_627, %swap3A_628], %add3A_625 {strides = array<i32>} : memref<4x128xi32, #tpu.memory_space<vmem>>, vector<16xi32>,
    %get3A_630 = arith.constant 8 : index
    %get3A_631 = tpu.vector_load %arg6[%get3A_630] {strides = array<i32>} : memref<272xi32, #tpu.memory_space<vmem>>, vector<16xi32>,
    %broadcast_in_dim3A_632 = vector.shape_cast %select_n3A_584 : vector<16xi32> to vector<16x1xi32>
    %gather3A_633 = vector.shape_cast %broadcast_in_dim3A_632 : vector<16x1xi32> to vector<16xi32>
    %gather3A_634 = tpu.dynamic_gather %get3A_631[%gather3A_633] in [0] : vector<16xi32>, vector<16xi32> -> vector<16xi32>
    %mul3A_635 = arith.constant 2 : i32
    %mul3A_636 = vector.broadcast %mul3A_635 : i32 to vector<16xi32>
    %mul3A_637 = arith.muli %gather3A_634, %mul3A_636 : vector<16xi32>
    %add3A_638 = arith.addi %mul3A_637, %select_n3A_612 : vector<16xi32>
    %mul3A_639 = arith.constant 16 : i32
    %mul3A_640 = arith.muli %arg1, %mul3A_639 : i32
    %add3A_641 = vector.broadcast %mul3A_640 : i32 to vector<16xi32>
    %add3A_642 = arith.addi %add3A_638, %add3A_641 : vector<16xi32>
    %swap3A_643 = arith.constant 0 : i32
    %swap3A_644 = arith.index_cast %swap3A_643 : i32 to index
    %swap3A_645 = arith.constant 16 : index
    %swap3A_646 = tpu.vector_load %arg8[%swap3A_644, %swap3A_645] {strides = array<i32>} : memref<4x128xi32, #tpu.memory_space<vmem>>, vector<16xi32>,
    tpu.vector_store %arg8[%swap3A_644, %swap3A_645], %add3A_642 {strides = array<i32>} : memref<4x128xi32, #tpu.memory_space<vmem>>, vector<16xi32>,
    %get3A_647 = arith.constant 16 : index
    %get3A_648 = tpu.vector_load %arg6[%get3A_647] {strides = array<i32>} : memref<272xi32, #tpu.memory_space<vmem>>, vector<16xi32>,
    %broadcast_in_dim3A_649 = vector.shape_cast %select_n3A_584 : vector<16xi32> to vector<16x1xi32>
    %gather3A_650 = vector.shape_cast %broadcast_in_dim3A_649 : vector<16x1xi32> to vector<16xi32>
    %gather3A_651 = tpu.dynamic_gather %get3A_648[%gather3A_650] in [0] : vector<16xi32>, vector<16xi32> -> vector<16xi32>
    %mul3A_652 = arith.constant 2 : i32
    %mul3A_653 = vector.broadcast %mul3A_652 : i32 to vector<16xi32>
    %mul3A_654 = arith.muli %gather3A_651, %mul3A_653 : vector<16xi32>
    %add3A_655 = arith.addi %mul3A_654, %select_n3A_612 : vector<16xi32>
    %mul3A_656 = arith.constant 16 : i32
    %mul3A_657 = arith.muli %arg1, %mul3A_656 : i32
    %add3A_658 = vector.broadcast %mul3A_657 : i32 to vector<16xi32>
    %add3A_659 = arith.addi %add3A_655, %add3A_658 : vector<16xi32>
    %swap3A_660 = arith.constant 0 : i32
    %swap3A_661 = arith.index_cast %swap3A_660 : i32 to index
    %swap3A_662 = arith.constant 32 : index
    %swap3A_663 = tpu.vector_load %arg8[%swap3A_661, %swap3A_662] {strides = array<i32>} : memref<4x128xi32, #tpu.memory_space<vmem>>, vector<16xi32>,
    tpu.vector_store %arg8[%swap3A_661, %swap3A_662], %add3A_659 {strides = array<i32>} : memref<4x128xi32, #tpu.memory_space<vmem>>, vector<16xi32>,
    %get3A_664 = arith.constant 24 : index
    %get3A_665 = tpu.vector_load %arg6[%get3A_664] {strides = array<i32>} : memref<272xi32, #tpu.memory_space<vmem>>, vector<16xi32>,
    %broadcast_in_dim3A_666 = vector.shape_cast %select_n3A_584 : vector<16xi32> to vector<16x1xi32>
    %gather3A_667 = vector.shape_cast %broadcast_in_dim3A_666 : vector<16x1xi32> to vector<16xi32>
    %gather3A_668 = tpu.dynamic_gather %get3A_665[%gather3A_667] in [0] : vector<16xi32>, vector<16xi32> -> vector<16xi32>
    %mul3A_669 = arith.constant 2 : i32
    %mul3A_670 = vector.broadcast %mul3A_669 : i32 to vector<16xi32>
    %mul3A_671 = arith.muli %gather3A_668, %mul3A_670 : vector<16xi32>
    %add3A_672 = arith.addi %mul3A_671, %select_n3A_612 : vector<16xi32>
    %mul3A_673 = arith.constant 16 : i32
    %mul3A_674 = arith.muli %arg1, %mul3A_673 : i32
    %add3A_675 = vector.broadcast %mul3A_674 : i32 to vector<16xi32>
    %add3A_676 = arith.addi %add3A_672, %add3A_675 : vector<16xi32>
    %swap3A_677 = arith.constant 0 : i32
    %swap3A_678 = arith.index_cast %swap3A_677 : i32 to index
    %swap3A_679 = arith.constant 48 : index
    %swap3A_680 = tpu.vector_load %arg8[%swap3A_678, %swap3A_679] {strides = array<i32>} : memref<4x128xi32, #tpu.memory_space<vmem>>, vector<16xi32>,
    tpu.vector_store %arg8[%swap3A_678, %swap3A_679], %add3A_676 {strides = array<i32>} : memref<4x128xi32, #tpu.memory_space<vmem>>, vector<16xi32>,
    %get3A_681 = arith.constant 32 : index
    %get3A_682 = tpu.vector_load %arg6[%get3A_681] {strides = array<i32>} : memref<272xi32, #tpu.memory_space<vmem>>, vector<16xi32>,
    %broadcast_in_dim3A_683 = vector.shape_cast %select_n3A_584 : vector<16xi32> to vector<16x1xi32>
    %gather3A_684 = vector.shape_cast %broadcast_in_dim3A_683 : vector<16x1xi32> to vector<16xi32>
    %gather3A_685 = tpu.dynamic_gather %get3A_682[%gather3A_684] in [0] : vector<16xi32>, vector<16xi32> -> vector<16xi32>
    %mul3A_686 = arith.constant 2 : i32
    %mul3A_687 = vector.broadcast %mul3A_686 : i32 to vector<16xi32>
    %mul3A_688 = arith.muli %gather3A_685, %mul3A_687 : vector<16xi32>
    %add3A_689 = arith.addi %mul3A_688, %select_n3A_612 : vector<16xi32>
    %mul3A_690 = arith.constant 16 : i32
    %mul3A_691 = arith.muli %arg1, %mul3A_690 : i32
    %add3A_692 = vector.broadcast %mul3A_691 : i32 to vector<16xi32>
    %add3A_693 = arith.addi %add3A_689, %add3A_692 : vector<16xi32>
    %swap3A_694 = arith.constant 0 : i32
    %swap3A_695 = arith.index_cast %swap3A_694 : i32 to index
    %swap3A_696 = arith.constant 64 : index
    %swap3A_697 = tpu.vector_load %arg8[%swap3A_695, %swap3A_696] {strides = array<i32>} : memref<4x128xi32, #tpu.memory_space<vmem>>, vector<16xi32>,
    tpu.vector_store %arg8[%swap3A_695, %swap3A_696], %add3A_693 {strides = array<i32>} : memref<4x128xi32, #tpu.memory_space<vmem>>, vector<16xi32>,
    %get3A_698 = arith.constant 40 : index
    %get3A_699 = tpu.vector_load %arg6[%get3A_698] {strides = array<i32>} : memref<272xi32, #tpu.memory_space<vmem>>, vector<16xi32>,
    %broadcast_in_dim3A_700 = vector.shape_cast %select_n3A_584 : vector<16xi32> to vector<16x1xi32>
    %gather3A_701 = vector.shape_cast %broadcast_in_dim3A_700 : vector<16x1xi32> to vector<16xi32>
    %gather3A_702 = tpu.dynamic_gather %get3A_699[%gather3A_701] in [0] : vector<16xi32>, vector<16xi32> -> vector<16xi32>
    %mul3A_703 = arith.constant 2 : i32
    %mul3A_704 = vector.broadcast %mul3A_703 : i32 to vector<16xi32>
    %mul3A_705 = arith.muli %gather3A_702, %mul3A_704 : vector<16xi32>
    %add3A_706 = arith.addi %mul3A_705, %select_n3A_612 : vector<16xi32>
    %mul3A_707 = arith.constant 16 : i32
    %mul3A_708 = arith.muli %arg1, %mul3A_707 : i32
    %add3A_709 = vector.broadcast %mul3A_708 : i32 to vector<16xi32>
    %add3A_710 = arith.addi %add3A_706, %add3A_709 : vector<16xi32>
    %swap3A_711 = arith.constant 0 : i32
    %swap3A_712 = arith.index_cast %swap3A_711 : i32 to index
    %swap3A_713 = arith.constant 80 : index
    %swap3A_714 = tpu.vector_load %arg8[%swap3A_712, %swap3A_713] {strides = array<i32>} : memref<4x128xi32, #tpu.memory_space<vmem>>, vector<16xi32>,
    tpu.vector_store %arg8[%swap3A_712, %swap3A_713], %add3A_710 {strides = array<i32>} : memref<4x128xi32, #tpu.memory_space<vmem>>, vector<16xi32>,
    %get3A_715 = arith.constant 48 : index
    %get3A_716 = tpu.vector_load %arg6[%get3A_715] {strides = array<i32>} : memref<272xi32, #tpu.memory_space<vmem>>, vector<16xi32>,
    %broadcast_in_dim3A_717 = vector.shape_cast %select_n3A_584 : vector<16xi32> to vector<16x1xi32>
    %gather3A_718 = vector.shape_cast %broadcast_in_dim3A_717 : vector<16x1xi32> to vector<16xi32>
    %gather3A_719 = tpu.dynamic_gather %get3A_716[%gather3A_718] in [0] : vector<16xi32>, vector<16xi32> -> vector<16xi32>
    %mul3A_720 = arith.constant 2 : i32
    %mul3A_721 = vector.broadcast %mul3A_720 : i32 to vector<16xi32>
    %mul3A_722 = arith.muli %gather3A_719, %mul3A_721 : vector<16xi32>
    %add3A_723 = arith.addi %mul3A_722, %select_n3A_612 : vector<16xi32>
    %mul3A_724 = arith.constant 16 : i32
    %mul3A_725 = arith.muli %arg1, %mul3A_724 : i32
    %add3A_726 = vector.broadcast %mul3A_725 : i32 to vector<16xi32>
    %add3A_727 = arith.addi %add3A_723, %add3A_726 : vector<16xi32>
    %swap3A_728 = arith.constant 0 : i32
    %swap3A_729 = arith.index_cast %swap3A_728 : i32 to index
    %swap3A_730 = arith.constant 96 : index
    %swap3A_731 = tpu.vector_load %arg8[%swap3A_729, %swap3A_730] {strides = array<i32>} : memref<4x128xi32, #tpu.memory_space<vmem>>, vector<16xi32>,
    tpu.vector_store %arg8[%swap3A_729, %swap3A_730], %add3A_727 {strides = array<i32>} : memref<4x128xi32, #tpu.memory_space<vmem>>, vector<16xi32>,
    %get3A_732 = arith.constant 56 : index
    %get3A_733 = tpu.vector_load %arg6[%get3A_732] {strides = array<i32>} : memref<272xi32, #tpu.memory_space<vmem>>, vector<16xi32>,
    %broadcast_in_dim3A_734 = vector.shape_cast %select_n3A_584 : vector<16xi32> to vector<16x1xi32>
    %gather3A_735 = vector.shape_cast %broadcast_in_dim3A_734 : vector<16x1xi32> to vector<16xi32>
    %gather3A_736 = tpu.dynamic_gather %get3A_733[%gather3A_735] in [0] : vector<16xi32>, vector<16xi32> -> vector<16xi32>
    %mul3A_737 = arith.constant 2 : i32
    %mul3A_738 = vector.broadcast %mul3A_737 : i32 to vector<16xi32>
    %mul3A_739 = arith.muli %gather3A_736, %mul3A_738 : vector<16xi32>
    %add3A_740 = arith.addi %mul3A_739, %select_n3A_612 : vector<16xi32>
    %mul3A_741 = arith.constant 16 : i32
    %mul3A_742 = arith.muli %arg1, %mul3A_741 : i32
    %add3A_743 = vector.broadcast %mul3A_742 : i32 to vector<16xi32>
    %add3A_744 = arith.addi %add3A_740, %add3A_743 : vector<16xi32>
    %swap3A_745 = arith.constant 0 : i32
    %swap3A_746 = arith.index_cast %swap3A_745 : i32 to index
    %swap3A_747 = arith.constant 112 : index
    %swap3A_748 = tpu.vector_load %arg8[%swap3A_746, %swap3A_747] {strides = array<i32>} : memref<4x128xi32, #tpu.memory_space<vmem>>, vector<16xi32>,
    tpu.vector_store %arg8[%swap3A_746, %swap3A_747], %add3A_744 {strides = array<i32>} : memref<4x128xi32, #tpu.memory_space<vmem>>, vector<16xi32>,
    %get3A_749 = arith.constant 64 : index
    %get3A_750 = tpu.vector_load %arg6[%get3A_749] {strides = array<i32>} : memref<272xi32, #tpu.memory_space<vmem>>, vector<16xi32>,
    %broadcast_in_dim3A_751 = vector.shape_cast %select_n3A_584 : vector<16xi32> to vector<16x1xi32>
    %gather3A_752 = vector.shape_cast %broadcast_in_dim3A_751 : vector<16x1xi32> to vector<16xi32>
    %gather3A_753 = tpu.dynamic_gather %get3A_750[%gather3A_752] in [0] : vector<16xi32>, vector<16xi32> -> vector<16xi32>
    %mul3A_754 = arith.constant 2 : i32
    %mul3A_755 = vector.broadcast %mul3A_754 : i32 to vector<16xi32>
    %mul3A_756 = arith.muli %gather3A_753, %mul3A_755 : vector<16xi32>
    %add3A_757 = arith.addi %mul3A_756, %select_n3A_612 : vector<16xi32>
    %mul3A_758 = arith.constant 16 : i32
    %mul3A_759 = arith.muli %arg1, %mul3A_758 : i32
    %add3A_760 = vector.broadcast %mul3A_759 : i32 to vector<16xi32>
    %add3A_761 = arith.addi %add3A_757, %add3A_760 : vector<16xi32>
    %swap3A_762 = arith.constant 1 : i32
    %swap3A_763 = arith.index_cast %swap3A_762 : i32 to index
    %swap3A_764 = arith.constant 0 : index
    %swap3A_765 = tpu.vector_load %arg8[%swap3A_763, %swap3A_764] {strides = array<i32>} : memref<4x128xi32, #tpu.memory_space<vmem>>, vector<16xi32>,
    tpu.vector_store %arg8[%swap3A_763, %swap3A_764], %add3A_761 {strides = array<i32>} : memref<4x128xi32, #tpu.memory_space<vmem>>, vector<16xi32>,
    %get3A_766 = arith.constant 72 : index
    %get3A_767 = tpu.vector_load %arg6[%get3A_766] {strides = array<i32>} : memref<272xi32, #tpu.memory_space<vmem>>, vector<16xi32>,
    %broadcast_in_dim3A_768 = vector.shape_cast %select_n3A_584 : vector<16xi32> to vector<16x1xi32>
    %gather3A_769 = vector.shape_cast %broadcast_in_dim3A_768 : vector<16x1xi32> to vector<16xi32>
    %gather3A_770 = tpu.dynamic_gather %get3A_767[%gather3A_769] in [0] : vector<16xi32>, vector<16xi32> -> vector<16xi32>
    %mul3A_771 = arith.constant 2 : i32
    %mul3A_772 = vector.broadcast %mul3A_771 : i32 to vector<16xi32>
    %mul3A_773 = arith.muli %gather3A_770, %mul3A_772 : vector<16xi32>
    %add3A_774 = arith.addi %mul3A_773, %select_n3A_612 : vector<16xi32>
    %mul3A_775 = arith.constant 16 : i32
    %mul3A_776 = arith.muli %arg1, %mul3A_775 : i32
    %add3A_777 = vector.broadcast %mul3A_776 : i32 to vector<16xi32>
    %add3A_778 = arith.addi %add3A_774, %add3A_777 : vector<16xi32>
    %swap3A_779 = arith.constant 1 : i32
    %swap3A_780 = arith.index_cast %swap3A_779 : i32 to index
    %swap3A_781 = arith.constant 16 : index
    %swap3A_782 = tpu.vector_load %arg8[%swap3A_780, %swap3A_781] {strides = array<i32>} : memref<4x128xi32, #tpu.memory_space<vmem>>, vector<16xi32>,
    tpu.vector_store %arg8[%swap3A_780, %swap3A_781], %add3A_778 {strides = array<i32>} : memref<4x128xi32, #tpu.memory_space<vmem>>, vector<16xi32>,
    %get3A_783 = arith.constant 80 : index
    %get3A_784 = tpu.vector_load %arg6[%get3A_783] {strides = array<i32>} : memref<272xi32, #tpu.memory_space<vmem>>, vector<16xi32>,
    %broadcast_in_dim3A_785 = vector.shape_cast %select_n3A_584 : vector<16xi32> to vector<16x1xi32>
    %gather3A_786 = vector.shape_cast %broadcast_in_dim3A_785 : vector<16x1xi32> to vector<16xi32>
    %gather3A_787 = tpu.dynamic_gather %get3A_784[%gather3A_786] in [0] : vector<16xi32>, vector<16xi32> -> vector<16xi32>
    %mul3A_788 = arith.constant 2 : i32
    %mul3A_789 = vector.broadcast %mul3A_788 : i32 to vector<16xi32>
    %mul3A_790 = arith.muli %gather3A_787, %mul3A_789 : vector<16xi32>
    %add3A_791 = arith.addi %mul3A_790, %select_n3A_612 : vector<16xi32>
    %mul3A_792 = arith.constant 16 : i32
    %mul3A_793 = arith.muli %arg1, %mul3A_792 : i32
    %add3A_794 = vector.broadcast %mul3A_793 : i32 to vector<16xi32>
    %add3A_795 = arith.addi %add3A_791, %add3A_794 : vector<16xi32>
    %swap3A_796 = arith.constant 1 : i32
    %swap3A_797 = arith.index_cast %swap3A_796 : i32 to index
    %swap3A_798 = arith.constant 32 : index
    %swap3A_799 = tpu.vector_load %arg8[%swap3A_797, %swap3A_798] {strides = array<i32>} : memref<4x128xi32, #tpu.memory_space<vmem>>, vector<16xi32>,
    tpu.vector_store %arg8[%swap3A_797, %swap3A_798], %add3A_795 {strides = array<i32>} : memref<4x128xi32, #tpu.memory_space<vmem>>, vector<16xi32>,
    %get3A_800 = arith.constant 88 : index
    %get3A_801 = tpu.vector_load %arg6[%get3A_800] {strides = array<i32>} : memref<272xi32, #tpu.memory_space<vmem>>, vector<16xi32>,
    %broadcast_in_dim3A_802 = vector.shape_cast %select_n3A_584 : vector<16xi32> to vector<16x1xi32>
    %gather3A_803 = vector.shape_cast %broadcast_in_dim3A_802 : vector<16x1xi32> to vector<16xi32>
    %gather3A_804 = tpu.dynamic_gather %get3A_801[%gather3A_803] in [0] : vector<16xi32>, vector<16xi32> -> vector<16xi32>
    %mul3A_805 = arith.constant 2 : i32
    %mul3A_806 = vector.broadcast %mul3A_805 : i32 to vector<16xi32>
    %mul3A_807 = arith.muli %gather3A_804, %mul3A_806 : vector<16xi32>
    %add3A_808 = arith.addi %mul3A_807, %select_n3A_612 : vector<16xi32>
    %mul3A_809 = arith.constant 16 : i32
    %mul3A_810 = arith.muli %arg1, %mul3A_809 : i32
    %add3A_811 = vector.broadcast %mul3A_810 : i32 to vector<16xi32>
    %add3A_812 = arith.addi %add3A_808, %add3A_811 : vector<16xi32>
    %swap3A_813 = arith.constant 1 : i32
    %swap3A_814 = arith.index_cast %swap3A_813 : i32 to index
    %swap3A_815 = arith.constant 48 : index
    %swap3A_816 = tpu.vector_load %arg8[%swap3A_814, %swap3A_815] {strides = array<i32>} : memref<4x128xi32, #tpu.memory_space<vmem>>, vector<16xi32>,
    tpu.vector_store %arg8[%swap3A_814, %swap3A_815], %add3A_812 {strides = array<i32>} : memref<4x128xi32, #tpu.memory_space<vmem>>, vector<16xi32>,
    %get3A_817 = arith.constant 96 : index
    %get3A_818 = tpu.vector_load %arg6[%get3A_817] {strides = array<i32>} : memref<272xi32, #tpu.memory_space<vmem>>, vector<16xi32>,
    %broadcast_in_dim3A_819 = vector.shape_cast %select_n3A_584 : vector<16xi32> to vector<16x1xi32>
    %gather3A_820 = vector.shape_cast %broadcast_in_dim3A_819 : vector<16x1xi32> to vector<16xi32>
    %gather3A_821 = tpu.dynamic_gather %get3A_818[%gather3A_820] in [0] : vector<16xi32>, vector<16xi32> -> vector<16xi32>
    %mul3A_822 = arith.constant 2 : i32
    %mul3A_823 = vector.broadcast %mul3A_822 : i32 to vector<16xi32>
    %mul3A_824 = arith.muli %gather3A_821, %mul3A_823 : vector<16xi32>
    %add3A_825 = arith.addi %mul3A_824, %select_n3A_612 : vector<16xi32>
    %mul3A_826 = arith.constant 16 : i32
    %mul3A_827 = arith.muli %arg1, %mul3A_826 : i32
    %add3A_828 = vector.broadcast %mul3A_827 : i32 to vector<16xi32>
    %add3A_829 = arith.addi %add3A_825, %add3A_828 : vector<16xi32>
    %swap3A_830 = arith.constant 1 : i32
    %swap3A_831 = arith.index_cast %swap3A_830 : i32 to index
    %swap3A_832 = arith.constant 64 : index
    %swap3A_833 = tpu.vector_load %arg8[%swap3A_831, %swap3A_832] {strides = array<i32>} : memref<4x128xi32, #tpu.memory_space<vmem>>, vector<16xi32>,
    tpu.vector_store %arg8[%swap3A_831, %swap3A_832], %add3A_829 {strides = array<i32>} : memref<4x128xi32, #tpu.memory_space<vmem>>, vector<16xi32>,
    %get3A_834 = arith.constant 104 : index
    %get3A_835 = tpu.vector_load %arg6[%get3A_834] {strides = array<i32>} : memref<272xi32, #tpu.memory_space<vmem>>, vector<16xi32>,
    %broadcast_in_dim3A_836 = vector.shape_cast %select_n3A_584 : vector<16xi32> to vector<16x1xi32>
    %gather3A_837 = vector.shape_cast %broadcast_in_dim3A_836 : vector<16x1xi32> to vector<16xi32>
    %gather3A_838 = tpu.dynamic_gather %get3A_835[%gather3A_837] in [0] : vector<16xi32>, vector<16xi32> -> vector<16xi32>
    %mul3A_839 = arith.constant 2 : i32
    %mul3A_840 = vector.broadcast %mul3A_839 : i32 to vector<16xi32>
    %mul3A_841 = arith.muli %gather3A_838, %mul3A_840 : vector<16xi32>
    %add3A_842 = arith.addi %mul3A_841, %select_n3A_612 : vector<16xi32>
    %mul3A_843 = arith.constant 16 : i32
    %mul3A_844 = arith.muli %arg1, %mul3A_843 : i32
    %add3A_845 = vector.broadcast %mul3A_844 : i32 to vector<16xi32>
    %add3A_846 = arith.addi %add3A_842, %add3A_845 : vector<16xi32>
    %swap3A_847 = arith.constant 1 : i32
    %swap3A_848 = arith.index_cast %swap3A_847 : i32 to index
    %swap3A_849 = arith.constant 80 : index
    %swap3A_850 = tpu.vector_load %arg8[%swap3A_848, %swap3A_849] {strides = array<i32>} : memref<4x128xi32, #tpu.memory_space<vmem>>, vector<16xi32>,
    tpu.vector_store %arg8[%swap3A_848, %swap3A_849], %add3A_846 {strides = array<i32>} : memref<4x128xi32, #tpu.memory_space<vmem>>, vector<16xi32>,
    %get3A_851 = arith.constant 112 : index
    %get3A_852 = tpu.vector_load %arg6[%get3A_851] {strides = array<i32>} : memref<272xi32, #tpu.memory_space<vmem>>, vector<16xi32>,
    %broadcast_in_dim3A_853 = vector.shape_cast %select_n3A_584 : vector<16xi32> to vector<16x1xi32>
    %gather3A_854 = vector.shape_cast %broadcast_in_dim3A_853 : vector<16x1xi32> to vector<16xi32>
    %gather3A_855 = tpu.dynamic_gather %get3A_852[%gather3A_854] in [0] : vector<16xi32>, vector<16xi32> -> vector<16xi32>
    %mul3A_856 = arith.constant 2 : i32
    %mul3A_857 = vector.broadcast %mul3A_856 : i32 to vector<16xi32>
    %mul3A_858 = arith.muli %gather3A_855, %mul3A_857 : vector<16xi32>
    %add3A_859 = arith.addi %mul3A_858, %select_n3A_612 : vector<16xi32>
    %mul3A_860 = arith.constant 16 : i32
    %mul3A_861 = arith.muli %arg1, %mul3A_860 : i32
    %add3A_862 = vector.broadcast %mul3A_861 : i32 to vector<16xi32>
    %add3A_863 = arith.addi %add3A_859, %add3A_862 : vector<16xi32>
    %swap3A_864 = arith.constant 1 : i32
    %swap3A_865 = arith.index_cast %swap3A_864 : i32 to index
    %swap3A_866 = arith.constant 96 : index
    %swap3A_867 = tpu.vector_load %arg8[%swap3A_865, %swap3A_866] {strides = array<i32>} : memref<4x128xi32, #tpu.memory_space<vmem>>, vector<16xi32>,
    tpu.vector_store %arg8[%swap3A_865, %swap3A_866], %add3A_863 {strides = array<i32>} : memref<4x128xi32, #tpu.memory_space<vmem>>, vector<16xi32>,
    %get3A_868 = arith.constant 120 : index
    %get3A_869 = tpu.vector_load %arg6[%get3A_868] {strides = array<i32>} : memref<272xi32, #tpu.memory_space<vmem>>, vector<16xi32>,
    %broadcast_in_dim3A_870 = vector.shape_cast %select_n3A_584 : vector<16xi32> to vector<16x1xi32>
    %gather3A_871 = vector.shape_cast %broadcast_in_dim3A_870 : vector<16x1xi32> to vector<16xi32>
    %gather3A_872 = tpu.dynamic_gather %get3A_869[%gather3A_871] in [0] : vector<16xi32>, vector<16xi32> -> vector<16xi32>
    %mul3A_873 = arith.constant 2 : i32
    %mul3A_874 = vector.broadcast %mul3A_873 : i32 to vector<16xi32>
    %mul3A_875 = arith.muli %gather3A_872, %mul3A_874 : vector<16xi32>
    %add3A_876 = arith.addi %mul3A_875, %select_n3A_612 : vector<16xi32>
    %mul3A_877 = arith.constant 16 : i32
    %mul3A_878 = arith.muli %arg1, %mul3A_877 : i32
    %add3A_879 = vector.broadcast %mul3A_878 : i32 to vector<16xi32>
    %add3A_880 = arith.addi %add3A_876, %add3A_879 : vector<16xi32>
    %swap3A_881 = arith.constant 1 : i32
    %swap3A_882 = arith.index_cast %swap3A_881 : i32 to index
    %swap3A_883 = arith.constant 112 : index
    %swap3A_884 = tpu.vector_load %arg8[%swap3A_882, %swap3A_883] {strides = array<i32>} : memref<4x128xi32, #tpu.memory_space<vmem>>, vector<16xi32>,
    tpu.vector_store %arg8[%swap3A_882, %swap3A_883], %add3A_880 {strides = array<i32>} : memref<4x128xi32, #tpu.memory_space<vmem>>, vector<16xi32>,
    %get3A_885 = arith.constant 128 : index
    %get3A_886 = tpu.vector_load %arg6[%get3A_885] {strides = array<i32>} : memref<272xi32, #tpu.memory_space<vmem>>, vector<16xi32>,
    %broadcast_in_dim3A_887 = vector.shape_cast %select_n3A_584 : vector<16xi32> to vector<16x1xi32>
    %gather3A_888 = vector.shape_cast %broadcast_in_dim3A_887 : vector<16x1xi32> to vector<16xi32>
    %gather3A_889 = tpu.dynamic_gather %get3A_886[%gather3A_888] in [0] : vector<16xi32>, vector<16xi32> -> vector<16xi32>
    %mul3A_890 = arith.constant 2 : i32
    %mul3A_891 = vector.broadcast %mul3A_890 : i32 to vector<16xi32>
    %mul3A_892 = arith.muli %gather3A_889, %mul3A_891 : vector<16xi32>
    %add3A_893 = arith.addi %mul3A_892, %select_n3A_612 : vector<16xi32>
    %mul3A_894 = arith.constant 16 : i32
    %mul3A_895 = arith.muli %arg1, %mul3A_894 : i32
    %add3A_896 = vector.broadcast %mul3A_895 : i32 to vector<16xi32>
    %add3A_897 = arith.addi %add3A_893, %add3A_896 : vector<16xi32>
    %swap3A_898 = arith.constant 2 : i32
    %swap3A_899 = arith.index_cast %swap3A_898 : i32 to index
    %swap3A_900 = arith.constant 0 : index
    %swap3A_901 = tpu.vector_load %arg8[%swap3A_899, %swap3A_900] {strides = array<i32>} : memref<4x128xi32, #tpu.memory_space<vmem>>, vector<16xi32>,
    tpu.vector_store %arg8[%swap3A_899, %swap3A_900], %add3A_897 {strides = array<i32>} : memref<4x128xi32, #tpu.memory_space<vmem>>, vector<16xi32>,
    %get3A_902 = arith.constant 136 : index
    %get3A_903 = tpu.vector_load %arg6[%get3A_902] {strides = array<i32>} : memref<272xi32, #tpu.memory_space<vmem>>, vector<16xi32>,
    %broadcast_in_dim3A_904 = vector.shape_cast %select_n3A_584 : vector<16xi32> to vector<16x1xi32>
    %gather3A_905 = vector.shape_cast %broadcast_in_dim3A_904 : vector<16x1xi32> to vector<16xi32>
    %gather3A_906 = tpu.dynamic_gather %get3A_903[%gather3A_905] in [0] : vector<16xi32>, vector<16xi32> -> vector<16xi32>
    %mul3A_907 = arith.constant 2 : i32
    %mul3A_908 = vector.broadcast %mul3A_907 : i32 to vector<16xi32>
    %mul3A_909 = arith.muli %gather3A_906, %mul3A_908 : vector<16xi32>
    %add3A_910 = arith.addi %mul3A_909, %select_n3A_612 : vector<16xi32>
    %mul3A_911 = arith.constant 16 : i32
    %mul3A_912 = arith.muli %arg1, %mul3A_911 : i32
    %add3A_913 = vector.broadcast %mul3A_912 : i32 to vector<16xi32>
    %add3A_914 = arith.addi %add3A_910, %add3A_913 : vector<16xi32>
    %swap3A_915 = arith.constant 2 : i32
    %swap3A_916 = arith.index_cast %swap3A_915 : i32 to index
    %swap3A_917 = arith.constant 16 : index
    %swap3A_918 = tpu.vector_load %arg8[%swap3A_916, %swap3A_917] {strides = array<i32>} : memref<4x128xi32, #tpu.memory_space<vmem>>, vector<16xi32>,
    tpu.vector_store %arg8[%swap3A_916, %swap3A_917], %add3A_914 {strides = array<i32>} : memref<4x128xi32, #tpu.memory_space<vmem>>, vector<16xi32>,
    %get3A_919 = arith.constant 144 : index
    %get3A_920 = tpu.vector_load %arg6[%get3A_919] {strides = array<i32>} : memref<272xi32, #tpu.memory_space<vmem>>, vector<16xi32>,
    %broadcast_in_dim3A_921 = vector.shape_cast %select_n3A_584 : vector<16xi32> to vector<16x1xi32>
    %gather3A_922 = vector.shape_cast %broadcast_in_dim3A_921 : vector<16x1xi32> to vector<16xi32>
    %gather3A_923 = tpu.dynamic_gather %get3A_920[%gather3A_922] in [0] : vector<16xi32>, vector<16xi32> -> vector<16xi32>
    %mul3A_924 = arith.constant 2 : i32
    %mul3A_925 = vector.broadcast %mul3A_924 : i32 to vector<16xi32>
    %mul3A_926 = arith.muli %gather3A_923, %mul3A_925 : vector<16xi32>
    %add3A_927 = arith.addi %mul3A_926, %select_n3A_612 : vector<16xi32>
    %mul3A_928 = arith.constant 16 : i32
    %mul3A_929 = arith.muli %arg1, %mul3A_928 : i32
    %add3A_930 = vector.broadcast %mul3A_929 : i32 to vector<16xi32>
    %add3A_931 = arith.addi %add3A_927, %add3A_930 : vector<16xi32>
    %swap3A_932 = arith.constant 2 : i32
    %swap3A_933 = arith.index_cast %swap3A_932 : i32 to index
    %swap3A_934 = arith.constant 32 : index
    %swap3A_935 = tpu.vector_load %arg8[%swap3A_933, %swap3A_934] {strides = array<i32>} : memref<4x128xi32, #tpu.memory_space<vmem>>, vector<16xi32>,
    tpu.vector_store %arg8[%swap3A_933, %swap3A_934], %add3A_931 {strides = array<i32>} : memref<4x128xi32, #tpu.memory_space<vmem>>, vector<16xi32>,
    %get3A_936 = arith.constant 152 : index
    %get3A_937 = tpu.vector_load %arg6[%get3A_936] {strides = array<i32>} : memref<272xi32, #tpu.memory_space<vmem>>, vector<16xi32>,
    %broadcast_in_dim3A_938 = vector.shape_cast %select_n3A_584 : vector<16xi32> to vector<16x1xi32>
    %gather3A_939 = vector.shape_cast %broadcast_in_dim3A_938 : vector<16x1xi32> to vector<16xi32>
    %gather3A_940 = tpu.dynamic_gather %get3A_937[%gather3A_939] in [0] : vector<16xi32>, vector<16xi32> -> vector<16xi32>
    %mul3A_941 = arith.constant 2 : i32
    %mul3A_942 = vector.broadcast %mul3A_941 : i32 to vector<16xi32>
    %mul3A_943 = arith.muli %gather3A_940, %mul3A_942 : vector<16xi32>
    %add3A_944 = arith.addi %mul3A_943, %select_n3A_612 : vector<16xi32>
    %mul3A_945 = arith.constant 16 : i32
    %mul3A_946 = arith.muli %arg1, %mul3A_945 : i32
    %add3A_947 = vector.broadcast %mul3A_946 : i32 to vector<16xi32>
    %add3A_948 = arith.addi %add3A_944, %add3A_947 : vector<16xi32>
    %swap3A_949 = arith.constant 2 : i32
    %swap3A_950 = arith.index_cast %swap3A_949 : i32 to index
    %swap3A_951 = arith.constant 48 : index
    %swap3A_952 = tpu.vector_load %arg8[%swap3A_950, %swap3A_951] {strides = array<i32>} : memref<4x128xi32, #tpu.memory_space<vmem>>, vector<16xi32>,
    tpu.vector_store %arg8[%swap3A_950, %swap3A_951], %add3A_948 {strides = array<i32>} : memref<4x128xi32, #tpu.memory_space<vmem>>, vector<16xi32>,
    %get3A_953 = arith.constant 160 : index
    %get3A_954 = tpu.vector_load %arg6[%get3A_953] {strides = array<i32>} : memref<272xi32, #tpu.memory_space<vmem>>, vector<16xi32>,
    %broadcast_in_dim3A_955 = vector.shape_cast %select_n3A_584 : vector<16xi32> to vector<16x1xi32>
    %gather3A_956 = vector.shape_cast %broadcast_in_dim3A_955 : vector<16x1xi32> to vector<16xi32>
    %gather3A_957 = tpu.dynamic_gather %get3A_954[%gather3A_956] in [0] : vector<16xi32>, vector<16xi32> -> vector<16xi32>
    %mul3A_958 = arith.constant 2 : i32
    %mul3A_959 = vector.broadcast %mul3A_958 : i32 to vector<16xi32>
    %mul3A_960 = arith.muli %gather3A_957, %mul3A_959 : vector<16xi32>
    %add3A_961 = arith.addi %mul3A_960, %select_n3A_612 : vector<16xi32>
    %mul3A_962 = arith.constant 16 : i32
    %mul3A_963 = arith.muli %arg1, %mul3A_962 : i32
    %add3A_964 = vector.broadcast %mul3A_963 : i32 to vector<16xi32>
    %add3A_965 = arith.addi %add3A_961, %add3A_964 : vector<16xi32>
    %swap3A_966 = arith.constant 2 : i32
    %swap3A_967 = arith.index_cast %swap3A_966 : i32 to index
    %swap3A_968 = arith.constant 64 : index
    %swap3A_969 = tpu.vector_load %arg8[%swap3A_967, %swap3A_968] {strides = array<i32>} : memref<4x128xi32, #tpu.memory_space<vmem>>, vector<16xi32>,
    tpu.vector_store %arg8[%swap3A_967, %swap3A_968], %add3A_965 {strides = array<i32>} : memref<4x128xi32, #tpu.memory_space<vmem>>, vector<16xi32>,
    %get3A_970 = arith.constant 168 : index
    %get3A_971 = tpu.vector_load %arg6[%get3A_970] {strides = array<i32>} : memref<272xi32, #tpu.memory_space<vmem>>, vector<16xi32>,
    %broadcast_in_dim3A_972 = vector.shape_cast %select_n3A_584 : vector<16xi32> to vector<16x1xi32>
    %gather3A_973 = vector.shape_cast %broadcast_in_dim3A_972 : vector<16x1xi32> to vector<16xi32>
    %gather3A_974 = tpu.dynamic_gather %get3A_971[%gather3A_973] in [0] : vector<16xi32>, vector<16xi32> -> vector<16xi32>
    %mul3A_975 = arith.constant 2 : i32
    %mul3A_976 = vector.broadcast %mul3A_975 : i32 to vector<16xi32>
    %mul3A_977 = arith.muli %gather3A_974, %mul3A_976 : vector<16xi32>
    %add3A_978 = arith.addi %mul3A_977, %select_n3A_612 : vector<16xi32>
    %mul3A_979 = arith.constant 16 : i32
    %mul3A_980 = arith.muli %arg1, %mul3A_979 : i32
    %add3A_981 = vector.broadcast %mul3A_980 : i32 to vector<16xi32>
    %add3A_982 = arith.addi %add3A_978, %add3A_981 : vector<16xi32>
    %swap3A_983 = arith.constant 2 : i32
    %swap3A_984 = arith.index_cast %swap3A_983 : i32 to index
    %swap3A_985 = arith.constant 80 : index
    %swap3A_986 = tpu.vector_load %arg8[%swap3A_984, %swap3A_985] {strides = array<i32>} : memref<4x128xi32, #tpu.memory_space<vmem>>, vector<16xi32>,
    tpu.vector_store %arg8[%swap3A_984, %swap3A_985], %add3A_982 {strides = array<i32>} : memref<4x128xi32, #tpu.memory_space<vmem>>, vector<16xi32>,
    %get3A_987 = arith.constant 176 : index
    %get3A_988 = tpu.vector_load %arg6[%get3A_987] {strides = array<i32>} : memref<272xi32, #tpu.memory_space<vmem>>, vector<16xi32>,
    %broadcast_in_dim3A_989 = vector.shape_cast %select_n3A_584 : vector<16xi32> to vector<16x1xi32>
    %gather3A_990 = vector.shape_cast %broadcast_in_dim3A_989 : vector<16x1xi32> to vector<16xi32>
    %gather3A_991 = tpu.dynamic_gather %get3A_988[%gather3A_990] in [0] : vector<16xi32>, vector<16xi32> -> vector<16xi32>
    %mul3A_992 = arith.constant 2 : i32
    %mul3A_993 = vector.broadcast %mul3A_992 : i32 to vector<16xi32>
    %mul3A_994 = arith.muli %gather3A_991, %mul3A_993 : vector<16xi32>
    %add3A_995 = arith.addi %mul3A_994, %select_n3A_612 : vector<16xi32>
    %mul3A_996 = arith.constant 16 : i32
    %mul3A_997 = arith.muli %arg1, %mul3A_996 : i32
    %add3A_998 = vector.broadcast %mul3A_997 : i32 to vector<16xi32>
    %add3A_999 = arith.addi %add3A_995, %add3A_998 : vector<16xi32>
    %swap3A_1000 = arith.constant 2 : i32
    %swap3A_1001 = arith.index_cast %swap3A_1000 : i32 to index
    %swap3A_1002 = arith.constant 96 : index
    %swap3A_1003 = tpu.vector_load %arg8[%swap3A_1001, %swap3A_1002] {strides = array<i32>} : memref<4x128xi32, #tpu.memory_space<vmem>>, vector<16xi32>,
    tpu.vector_store %arg8[%swap3A_1001, %swap3A_1002], %add3A_999 {strides = array<i32>} : memref<4x128xi32, #tpu.memory_space<vmem>>, vector<16xi32>,
    %get3A_1004 = arith.constant 184 : index
    %get3A_1005 = tpu.vector_load %arg6[%get3A_1004] {strides = array<i32>} : memref<272xi32, #tpu.memory_space<vmem>>, vector<16xi32>,
    %broadcast_in_dim3A_1006 = vector.shape_cast %select_n3A_584 : vector<16xi32> to vector<16x1xi32>
    %gather3A_1007 = vector.shape_cast %broadcast_in_dim3A_1006 : vector<16x1xi32> to vector<16xi32>
    %gather3A_1008 = tpu.dynamic_gather %get3A_1005[%gather3A_1007] in [0] : vector<16xi32>, vector<16xi32> -> vector<16xi32>
    %mul3A_1009 = arith.constant 2 : i32
    %mul3A_1010 = vector.broadcast %mul3A_1009 : i32 to vector<16xi32>
    %mul3A_1011 = arith.muli %gather3A_1008, %mul3A_1010 : vector<16xi32>
    %add3A_1012 = arith.addi %mul3A_1011, %select_n3A_612 : vector<16xi32>
    %mul3A_1013 = arith.constant 16 : i32
    %mul3A_1014 = arith.muli %arg1, %mul3A_1013 : i32
    %add3A_1015 = vector.broadcast %mul3A_1014 : i32 to vector<16xi32>
    %add3A_1016 = arith.addi %add3A_1012, %add3A_1015 : vector<16xi32>
    %swap3A_1017 = arith.constant 2 : i32
    %swap3A_1018 = arith.index_cast %swap3A_1017 : i32 to index
    %swap3A_1019 = arith.constant 112 : index
    %swap3A_1020 = tpu.vector_load %arg8[%swap3A_1018, %swap3A_1019] {strides = array<i32>} : memref<4x128xi32, #tpu.memory_space<vmem>>, vector<16xi32>,
    tpu.vector_store %arg8[%swap3A_1018, %swap3A_1019], %add3A_1016 {strides = array<i32>} : memref<4x128xi32, #tpu.memory_space<vmem>>, vector<16xi32>,
    %get3A_1021 = arith.constant 192 : index
    %get3A_1022 = tpu.vector_load %arg6[%get3A_1021] {strides = array<i32>} : memref<272xi32, #tpu.memory_space<vmem>>, vector<16xi32>,
    %broadcast_in_dim3A_1023 = vector.shape_cast %select_n3A_584 : vector<16xi32> to vector<16x1xi32>
    %gather3A_1024 = vector.shape_cast %broadcast_in_dim3A_1023 : vector<16x1xi32> to vector<16xi32>
    %gather3A_1025 = tpu.dynamic_gather %get3A_1022[%gather3A_1024] in [0] : vector<16xi32>, vector<16xi32> -> vector<16xi32>
    %mul3A_1026 = arith.constant 2 : i32
    %mul3A_1027 = vector.broadcast %mul3A_1026 : i32 to vector<16xi32>
    %mul3A_1028 = arith.muli %gather3A_1025, %mul3A_1027 : vector<16xi32>
    %add3A_1029 = arith.addi %mul3A_1028, %select_n3A_612 : vector<16xi32>
    %mul3A_1030 = arith.constant 16 : i32
    %mul3A_1031 = arith.muli %arg1, %mul3A_1030 : i32
    %add3A_1032 = vector.broadcast %mul3A_1031 : i32 to vector<16xi32>
    %add3A_1033 = arith.addi %add3A_1029, %add3A_1032 : vector<16xi32>
    %swap3A_1034 = arith.constant 3 : i32
    %swap3A_1035 = arith.index_cast %swap3A_1034 : i32 to index
    %swap3A_1036 = arith.constant 0 : index
    %swap3A_1037 = tpu.vector_load %arg8[%swap3A_1035, %swap3A_1036] {strides = array<i32>} : memref<4x128xi32, #tpu.memory_space<vmem>>, vector<16xi32>,
    tpu.vector_store %arg8[%swap3A_1035, %swap3A_1036], %add3A_1033 {strides = array<i32>} : memref<4x128xi32, #tpu.memory_space<vmem>>, vector<16xi32>,
    %get3A_1038 = arith.constant 200 : index
    %get3A_1039 = tpu.vector_load %arg6[%get3A_1038] {strides = array<i32>} : memref<272xi32, #tpu.memory_space<vmem>>, vector<16xi32>,
    %broadcast_in_dim3A_1040 = vector.shape_cast %select_n3A_584 : vector<16xi32> to vector<16x1xi32>
    %gather3A_1041 = vector.shape_cast %broadcast_in_dim3A_1040 : vector<16x1xi32> to vector<16xi32>
    %gather3A_1042 = tpu.dynamic_gather %get3A_1039[%gather3A_1041] in [0] : vector<16xi32>, vector<16xi32> -> vector<16xi32>
    %mul3A_1043 = arith.constant 2 : i32
    %mul3A_1044 = vector.broadcast %mul3A_1043 : i32 to vector<16xi32>
    %mul3A_1045 = arith.muli %gather3A_1042, %mul3A_1044 : vector<16xi32>
    %add3A_1046 = arith.addi %mul3A_1045, %select_n3A_612 : vector<16xi32>
    %mul3A_1047 = arith.constant 16 : i32
    %mul3A_1048 = arith.muli %arg1, %mul3A_1047 : i32
    %add3A_1049 = vector.broadcast %mul3A_1048 : i32 to vector<16xi32>
    %add3A_1050 = arith.addi %add3A_1046, %add3A_1049 : vector<16xi32>
    %swap3A_1051 = arith.constant 3 : i32
    %swap3A_1052 = arith.index_cast %swap3A_1051 : i32 to index
    %swap3A_1053 = arith.constant 16 : index
    %swap3A_1054 = tpu.vector_load %arg8[%swap3A_1052, %swap3A_1053] {strides = array<i32>} : memref<4x128xi32, #tpu.memory_space<vmem>>, vector<16xi32>,
    tpu.vector_store %arg8[%swap3A_1052, %swap3A_1053], %add3A_1050 {strides = array<i32>} : memref<4x128xi32, #tpu.memory_space<vmem>>, vector<16xi32>,
    %get3A_1055 = arith.constant 208 : index
    %get3A_1056 = tpu.vector_load %arg6[%get3A_1055] {strides = array<i32>} : memref<272xi32, #tpu.memory_space<vmem>>, vector<16xi32>,
    %broadcast_in_dim3A_1057 = vector.shape_cast %select_n3A_584 : vector<16xi32> to vector<16x1xi32>
    %gather3A_1058 = vector.shape_cast %broadcast_in_dim3A_1057 : vector<16x1xi32> to vector<16xi32>
    %gather3A_1059 = tpu.dynamic_gather %get3A_1056[%gather3A_1058] in [0] : vector<16xi32>, vector<16xi32> -> vector<16xi32>
    %mul3A_1060 = arith.constant 2 : i32
    %mul3A_1061 = vector.broadcast %mul3A_1060 : i32 to vector<16xi32>
    %mul3A_1062 = arith.muli %gather3A_1059, %mul3A_1061 : vector<16xi32>
    %add3A_1063 = arith.addi %mul3A_1062, %select_n3A_612 : vector<16xi32>
    %mul3A_1064 = arith.constant 16 : i32
    %mul3A_1065 = arith.muli %arg1, %mul3A_1064 : i32
    %add3A_1066 = vector.broadcast %mul3A_1065 : i32 to vector<16xi32>
    %add3A_1067 = arith.addi %add3A_1063, %add3A_1066 : vector<16xi32>
    %swap3A_1068 = arith.constant 3 : i32
    %swap3A_1069 = arith.index_cast %swap3A_1068 : i32 to index
    %swap3A_1070 = arith.constant 32 : index
    %swap3A_1071 = tpu.vector_load %arg8[%swap3A_1069, %swap3A_1070] {strides = array<i32>} : memref<4x128xi32, #tpu.memory_space<vmem>>, vector<16xi32>,
    tpu.vector_store %arg8[%swap3A_1069, %swap3A_1070], %add3A_1067 {strides = array<i32>} : memref<4x128xi32, #tpu.memory_space<vmem>>, vector<16xi32>,
    %get3A_1072 = arith.constant 216 : index
    %get3A_1073 = tpu.vector_load %arg6[%get3A_1072] {strides = array<i32>} : memref<272xi32, #tpu.memory_space<vmem>>, vector<16xi32>,
    %broadcast_in_dim3A_1074 = vector.shape_cast %select_n3A_584 : vector<16xi32> to vector<16x1xi32>
    %gather3A_1075 = vector.shape_cast %broadcast_in_dim3A_1074 : vector<16x1xi32> to vector<16xi32>
    %gather3A_1076 = tpu.dynamic_gather %get3A_1073[%gather3A_1075] in [0] : vector<16xi32>, vector<16xi32> -> vector<16xi32>
    %mul3A_1077 = arith.constant 2 : i32
    %mul3A_1078 = vector.broadcast %mul3A_1077 : i32 to vector<16xi32>
    %mul3A_1079 = arith.muli %gather3A_1076, %mul3A_1078 : vector<16xi32>
    %add3A_1080 = arith.addi %mul3A_1079, %select_n3A_612 : vector<16xi32>
    %mul3A_1081 = arith.constant 16 : i32
    %mul3A_1082 = arith.muli %arg1, %mul3A_1081 : i32
    %add3A_1083 = vector.broadcast %mul3A_1082 : i32 to vector<16xi32>
    %add3A_1084 = arith.addi %add3A_1080, %add3A_1083 : vector<16xi32>
    %swap3A_1085 = arith.constant 3 : i32
    %swap3A_1086 = arith.index_cast %swap3A_1085 : i32 to index
    %swap3A_1087 = arith.constant 48 : index
    %swap3A_1088 = tpu.vector_load %arg8[%swap3A_1086, %swap3A_1087] {strides = array<i32>} : memref<4x128xi32, #tpu.memory_space<vmem>>, vector<16xi32>,
    tpu.vector_store %arg8[%swap3A_1086, %swap3A_1087], %add3A_1084 {strides = array<i32>} : memref<4x128xi32, #tpu.memory_space<vmem>>, vector<16xi32>,
    %get3A_1089 = arith.constant 224 : index
    %get3A_1090 = tpu.vector_load %arg6[%get3A_1089] {strides = array<i32>} : memref<272xi32, #tpu.memory_space<vmem>>, vector<16xi32>,
    %broadcast_in_dim3A_1091 = vector.shape_cast %select_n3A_584 : vector<16xi32> to vector<16x1xi32>
    %gather3A_1092 = vector.shape_cast %broadcast_in_dim3A_1091 : vector<16x1xi32> to vector<16xi32>
    %gather3A_1093 = tpu.dynamic_gather %get3A_1090[%gather3A_1092] in [0] : vector<16xi32>, vector<16xi32> -> vector<16xi32>
    %mul3A_1094 = arith.constant 2 : i32
    %mul3A_1095 = vector.broadcast %mul3A_1094 : i32 to vector<16xi32>
    %mul3A_1096 = arith.muli %gather3A_1093, %mul3A_1095 : vector<16xi32>
    %add3A_1097 = arith.addi %mul3A_1096, %select_n3A_612 : vector<16xi32>
    %mul3A_1098 = arith.constant 16 : i32
    %mul3A_1099 = arith.muli %arg1, %mul3A_1098 : i32
    %add3A_1100 = vector.broadcast %mul3A_1099 : i32 to vector<16xi32>
    %add3A_1101 = arith.addi %add3A_1097, %add3A_1100 : vector<16xi32>
    %swap3A_1102 = arith.constant 3 : i32
    %swap3A_1103 = arith.index_cast %swap3A_1102 : i32 to index
    %swap3A_1104 = arith.constant 64 : index
    %swap3A_1105 = tpu.vector_load %arg8[%swap3A_1103, %swap3A_1104] {strides = array<i32>} : memref<4x128xi32, #tpu.memory_space<vmem>>, vector<16xi32>,
    tpu.vector_store %arg8[%swap3A_1103, %swap3A_1104], %add3A_1101 {strides = array<i32>} : memref<4x128xi32, #tpu.memory_space<vmem>>, vector<16xi32>,
    %get3A_1106 = arith.constant 232 : index
    %get3A_1107 = tpu.vector_load %arg6[%get3A_1106] {strides = array<i32>} : memref<272xi32, #tpu.memory_space<vmem>>, vector<16xi32>,
    %broadcast_in_dim3A_1108 = vector.shape_cast %select_n3A_584 : vector<16xi32> to vector<16x1xi32>
    %gather3A_1109 = vector.shape_cast %broadcast_in_dim3A_1108 : vector<16x1xi32> to vector<16xi32>
    %gather3A_1110 = tpu.dynamic_gather %get3A_1107[%gather3A_1109] in [0] : vector<16xi32>, vector<16xi32> -> vector<16xi32>
    %mul3A_1111 = arith.constant 2 : i32
    %mul3A_1112 = vector.broadcast %mul3A_1111 : i32 to vector<16xi32>
    %mul3A_1113 = arith.muli %gather3A_1110, %mul3A_1112 : vector<16xi32>
    %add3A_1114 = arith.addi %mul3A_1113, %select_n3A_612 : vector<16xi32>
    %mul3A_1115 = arith.constant 16 : i32
    %mul3A_1116 = arith.muli %arg1, %mul3A_1115 : i32
    %add3A_1117 = vector.broadcast %mul3A_1116 : i32 to vector<16xi32>
    %add3A_1118 = arith.addi %add3A_1114, %add3A_1117 : vector<16xi32>
    %swap3A_1119 = arith.constant 3 : i32
    %swap3A_1120 = arith.index_cast %swap3A_1119 : i32 to index
    %swap3A_1121 = arith.constant 80 : index
    %swap3A_1122 = tpu.vector_load %arg8[%swap3A_1120, %swap3A_1121] {strides = array<i32>} : memref<4x128xi32, #tpu.memory_space<vmem>>, vector<16xi32>,
    tpu.vector_store %arg8[%swap3A_1120, %swap3A_1121], %add3A_1118 {strides = array<i32>} : memref<4x128xi32, #tpu.memory_space<vmem>>, vector<16xi32>,
    %get3A_1123 = arith.constant 240 : index
    %get3A_1124 = tpu.vector_load %arg6[%get3A_1123] {strides = array<i32>} : memref<272xi32, #tpu.memory_space<vmem>>, vector<16xi32>,
    %broadcast_in_dim3A_1125 = vector.shape_cast %select_n3A_584 : vector<16xi32> to vector<16x1xi32>
    %gather3A_1126 = vector.shape_cast %broadcast_in_dim3A_1125 : vector<16x1xi32> to vector<16xi32>
    %gather3A_1127 = tpu.dynamic_gather %get3A_1124[%gather3A_1126] in [0] : vector<16xi32>, vector<16xi32> -> vector<16xi32>
    %mul3A_1128 = arith.constant 2 : i32
    %mul3A_1129 = vector.broadcast %mul3A_1128 : i32 to vector<16xi32>
    %mul3A_1130 = arith.muli %gather3A_1127, %mul3A_1129 : vector<16xi32>
    %add3A_1131 = arith.addi %mul3A_1130, %select_n3A_612 : vector<16xi32>
    %mul3A_1132 = arith.constant 16 : i32
    %mul3A_1133 = arith.muli %arg1, %mul3A_1132 : i32
    %add3A_1134 = vector.broadcast %mul3A_1133 : i32 to vector<16xi32>
    %add3A_1135 = arith.addi %add3A_1131, %add3A_1134 : vector<16xi32>
    %swap3A_1136 = arith.constant 3 : i32
    %swap3A_1137 = arith.index_cast %swap3A_1136 : i32 to index
    %swap3A_1138 = arith.constant 96 : index
    %swap3A_1139 = tpu.vector_load %arg8[%swap3A_1137, %swap3A_1138] {strides = array<i32>} : memref<4x128xi32, #tpu.memory_space<vmem>>, vector<16xi32>,
    tpu.vector_store %arg8[%swap3A_1137, %swap3A_1138], %add3A_1135 {strides = array<i32>} : memref<4x128xi32, #tpu.memory_space<vmem>>, vector<16xi32>,
    %get3A_1140 = arith.constant 248 : index
    %get3A_1141 = tpu.vector_load %arg6[%get3A_1140] {strides = array<i32>} : memref<272xi32, #tpu.memory_space<vmem>>, vector<16xi32>,
    %broadcast_in_dim3A_1142 = vector.shape_cast %select_n3A_584 : vector<16xi32> to vector<16x1xi32>
    %gather3A_1143 = vector.shape_cast %broadcast_in_dim3A_1142 : vector<16x1xi32> to vector<16xi32>
    %gather3A_1144 = tpu.dynamic_gather %get3A_1141[%gather3A_1143] in [0] : vector<16xi32>, vector<16xi32> -> vector<16xi32>
    %mul3A_1145 = arith.constant 2 : i32
    %mul3A_1146 = vector.broadcast %mul3A_1145 : i32 to vector<16xi32>
    %mul3A_1147 = arith.muli %gather3A_1144, %mul3A_1146 : vector<16xi32>
    %add3A_1148 = arith.addi %mul3A_1147, %select_n3A_612 : vector<16xi32>
    %mul3A_1149 = arith.constant 16 : i32
    %mul3A_1150 = arith.muli %arg1, %mul3A_1149 : i32
    %add3A_1151 = vector.broadcast %mul3A_1150 : i32 to vector<16xi32>
    %add3A_1152 = arith.addi %add3A_1148, %add3A_1151 : vector<16xi32>
    %swap3A_1153 = arith.constant 3 : i32
    %swap3A_1154 = arith.index_cast %swap3A_1153 : i32 to index
    %swap3A_1155 = arith.constant 112 : index
    %swap3A_1156 = tpu.vector_load %arg8[%swap3A_1154, %swap3A_1155] {strides = array<i32>} : memref<4x128xi32, #tpu.memory_space<vmem>>, vector<16xi32>,
    tpu.vector_store %arg8[%swap3A_1154, %swap3A_1155], %add3A_1152 {strides = array<i32>} : memref<4x128xi32, #tpu.memory_space<vmem>>, vector<16xi32>,
    %dma_start3A = arith.constant 0 : i32
    %dma_start3A_1157 = arith.constant 0 : i32
    %dma_start3A_1158 = arith.constant 0 : i32
    %dma_start3A_1159 = tpu.memref_slice %arg9[%dma_start3A_1157, %dma_start3A_1158] : memref<512x128xf32, #tpu.memory_space<vmem>> -> memref<128x128xf32, #tpu.memory_space<vmem>>
    %dma_start3A_1160 = arith.constant 0 : i32
    %dma_start3A_1161 = tpu.memref_slice %arg8[%dma_start3A, %dma_start3A_1160] : memref<4x128xi32, #tpu.memory_space<vmem>> -> memref<1x128xi32, #tpu.memory_space<vmem>>
    %dma_start3A_1162 = tpu.memref_squeeze %dma_start3A_1161 : memref<1x128xi32, #tpu.memory_space<vmem>> -> memref<128xi32, #tpu.memory_space<vmem>>
    %dma_start3A_1163 = arith.constant 0 : i32
    %dma_start3A_1164 = arith.constant 0 : i32
    %dma_start3A_1165 = tpu.memref_slice %arg10[%dma_start3A_1163, %dma_start3A_1164] : memref<256x128xf32, #tpu.memory_space<vmem_shared>> -> memref<256x128xf32, #tpu.memory_space<vmem_shared>>
    tpu.enqueue_indirect_dma source(%dma_start3A_1165 : memref<256x128xf32, #tpu.memory_space<vmem_shared>>) target(%dma_start3A_1159 : memref<128x128xf32, #tpu.memory_space<vmem>>) offsets(%dma_start3A_1162 : memref<128xi32, #tpu.memory_space<vmem>>) semaphore(%arg11 : memref<!tpu.dma_semaphore, #tpu.memory_space<semaphore_mem>>)
    %dma_start3A_1166 = arith.constant 1 : i32
    %dma_start3A_1167 = arith.constant 128 : i32
    %dma_start3A_1168 = arith.constant 0 : i32
    %dma_start3A_1169 = tpu.memref_slice %arg9[%dma_start3A_1167, %dma_start3A_1168] : memref<512x128xf32, #tpu.memory_space<vmem>> -> memref<128x128xf32, #tpu.memory_space<vmem>>
    %dma_start3A_1170 = arith.constant 0 : i32
    %dma_start3A_1171 = tpu.memref_slice %arg8[%dma_start3A_1166, %dma_start3A_1170] : memref<4x128xi32, #tpu.memory_space<vmem>> -> memref<1x128xi32, #tpu.memory_space<vmem>>
    %dma_start3A_1172 = tpu.memref_squeeze %dma_start3A_1171 : memref<1x128xi32, #tpu.memory_space<vmem>> -> memref<128xi32, #tpu.memory_space<vmem>>
    %dma_start3A_1173 = arith.constant 0 : i32
    %dma_start3A_1174 = arith.constant 0 : i32
    %dma_start3A_1175 = tpu.memref_slice %arg10[%dma_start3A_1173, %dma_start3A_1174] : memref<256x128xf32, #tpu.memory_space<vmem_shared>> -> memref<256x128xf32, #tpu.memory_space<vmem_shared>>
    tpu.enqueue_indirect_dma source(%dma_start3A_1175 : memref<256x128xf32, #tpu.memory_space<vmem_shared>>) target(%dma_start3A_1169 : memref<128x128xf32, #tpu.memory_space<vmem>>) offsets(%dma_start3A_1172 : memref<128xi32, #tpu.memory_space<vmem>>) semaphore(%arg12 : memref<!tpu.dma_semaphore, #tpu.memory_space<semaphore_mem>>)
    %dma_start3A_1176 = arith.constant 2 : i32
    %dma_start3A_1177 = arith.constant 256 : i32
    %dma_start3A_1178 = arith.constant 0 : i32
    %dma_start3A_1179 = tpu.memref_slice %arg9[%dma_start3A_1177, %dma_start3A_1178] : memref<512x128xf32, #tpu.memory_space<vmem>> -> memref<128x128xf32, #tpu.memory_space<vmem>>
    %dma_start3A_1180 = arith.constant 0 : i32
    %dma_start3A_1181 = tpu.memref_slice %arg8[%dma_start3A_1176, %dma_start3A_1180] : memref<4x128xi32, #tpu.memory_space<vmem>> -> memref<1x128xi32, #tpu.memory_space<vmem>>
    %dma_start3A_1182 = tpu.memref_squeeze %dma_start3A_1181 : memref<1x128xi32, #tpu.memory_space<vmem>> -> memref<128xi32, #tpu.memory_space<vmem>>
    %dma_start3A_1183 = arith.constant 0 : i32
    %dma_start3A_1184 = arith.constant 0 : i32
    %dma_start3A_1185 = tpu.memref_slice %arg10[%dma_start3A_1183, %dma_start3A_1184] : memref<256x128xf32, #tpu.memory_space<vmem_shared>> -> memref<256x128xf32, #tpu.memory_space<vmem_shared>>
    tpu.enqueue_indirect_dma source(%dma_start3A_1185 : memref<256x128xf32, #tpu.memory_space<vmem_shared>>) target(%dma_start3A_1179 : memref<128x128xf32, #tpu.memory_space<vmem>>) offsets(%dma_start3A_1182 : memref<128xi32, #tpu.memory_space<vmem>>) semaphore(%arg13 : memref<!tpu.dma_semaphore, #tpu.memory_space<semaphore_mem>>)
    %dma_start3A_1186 = arith.constant 3 : i32
    %dma_start3A_1187 = arith.constant 384 : i32
    %dma_start3A_1188 = arith.constant 0 : i32
    %dma_start3A_1189 = tpu.memref_slice %arg9[%dma_start3A_1187, %dma_start3A_1188] : memref<512x128xf32, #tpu.memory_space<vmem>> -> memref<128x128xf32, #tpu.memory_space<vmem>>
    %dma_start3A_1190 = arith.constant 0 : i32
    %dma_start3A_1191 = tpu.memref_slice %arg8[%dma_start3A_1186, %dma_start3A_1190] : memref<4x128xi32, #tpu.memory_space<vmem>> -> memref<1x128xi32, #tpu.memory_space<vmem>>
    %dma_start3A_1192 = tpu.memref_squeeze %dma_start3A_1191 : memref<1x128xi32, #tpu.memory_space<vmem>> -> memref<128xi32, #tpu.memory_space<vmem>>
    %dma_start3A_1193 = arith.constant 0 : i32
    %dma_start3A_1194 = arith.constant 0 : i32
    %dma_start3A_1195 = tpu.memref_slice %arg10[%dma_start3A_1193, %dma_start3A_1194] : memref<256x128xf32, #tpu.memory_space<vmem_shared>> -> memref<256x128xf32, #tpu.memory_space<vmem_shared>>
    tpu.enqueue_indirect_dma source(%dma_start3A_1195 : memref<256x128xf32, #tpu.memory_space<vmem_shared>>) target(%dma_start3A_1189 : memref<128x128xf32, #tpu.memory_space<vmem>>) offsets(%dma_start3A_1192 : memref<128xi32, #tpu.memory_space<vmem>>) semaphore(%arg14 : memref<!tpu.dma_semaphore, #tpu.memory_space<semaphore_mem>>)
    %dma_wait3A = arith.constant 0 : i32
    %dma_wait3A_1196 = arith.constant 0 : i32
    %dma_wait3A_1197 = arith.constant 0 : i32
    %dma_wait3A_1198 = tpu.memref_slice %arg9[%dma_wait3A_1196, %dma_wait3A_1197] : memref<512x128xf32, #tpu.memory_space<vmem>> -> memref<128x128xf32, #tpu.memory_space<vmem>>
    %dma_wait3A_1199 = arith.constant 0 : i32
    %dma_wait3A_1200 = tpu.memref_slice %arg8[%dma_wait3A, %dma_wait3A_1199] : memref<4x128xi32, #tpu.memory_space<vmem>> -> memref<1x128xi32, #tpu.memory_space<vmem>>
    %dma_wait3A_1201 = tpu.memref_squeeze %dma_wait3A_1200 : memref<1x128xi32, #tpu.memory_space<vmem>> -> memref<128xi32, #tpu.memory_space<vmem>>
    %dma_wait3A_1202 = arith.constant 0 : i32
    %dma_wait3A_1203 = arith.constant 0 : i32
    %dma_wait3A_1204 = tpu.memref_slice %arg10[%dma_wait3A_1202, %dma_wait3A_1203] : memref<256x128xf32, #tpu.memory_space<vmem_shared>> -> memref<256x128xf32, #tpu.memory_space<vmem_shared>>
    tpu.wait_indirect_dma semaphore(%arg11 : memref<!tpu.dma_semaphore, #tpu.memory_space<semaphore_mem>>) src(%dma_wait3A_1204 : memref<256x128xf32, #tpu.memory_space<vmem_shared>>) dst(%dma_wait3A_1198 : memref<128x128xf32, #tpu.memory_space<vmem>>)
    %dma_start3A_1205 = arith.constant 0 : i32
    %dma_start3A_1206 = arith.constant 0 : i32
    %dma_start3A_1207 = tpu.memref_slice %arg9[%dma_start3A_1205, %dma_start3A_1206] : memref<512x128xf32, #tpu.memory_space<vmem>> -> memref<128x128xf32, #tpu.memory_space<vmem>>
    %dma_start3A_1208 = arith.constant 0 : i32
    %dma_start3A_1209 = arith.constant 0 : i32
    %dma_start3A_1210 = tpu.memref_slice %arg4[%add3A, %dma_start3A_1208, %dma_start3A_1209] : memref<32x512x128xf32, #tpu.memory_space<hbm>> -> memref<1x512x128xf32, #tpu.memory_space<hbm>>
    %dma_start3A_1211 = tpu.memref_squeeze %dma_start3A_1210 : memref<1x512x128xf32, #tpu.memory_space<hbm>> -> memref<512x128xf32, #tpu.memory_space<hbm>>
    %dma_start3A_1212 = arith.constant 0 : i32
    %dma_start3A_1213 = arith.constant 0 : i32
    %dma_start3A_1214 = tpu.memref_slice %dma_start3A_1211[%dma_start3A_1212, %dma_start3A_1213] : memref<512x128xf32, #tpu.memory_space<hbm>> -> memref<128x128xf32, #tpu.memory_space<hbm>>
    %dma_start3A_1215 = arith.constant 0 : i32
    %dma_start3A_1216 = arith.constant 0 : i32
    %dma_start3A_1217 = tpu.memref_slice %arg4[%add3A, %dma_start3A_1215, %dma_start3A_1216] : memref<32x512x128xf32, #tpu.memory_space<hbm>> -> memref<1x512x128xf32, #tpu.memory_space<hbm>>
    %dma_start3A_1218 = tpu.memref_squeeze %dma_start3A_1217 : memref<1x512x128xf32, #tpu.memory_space<hbm>> -> memref<512x128xf32, #tpu.memory_space<hbm>>
    %dma_start3A_1219 = arith.constant 0 : i32
    %dma_start3A_1220 = arith.constant 0 : i32
    %dma_start3A_1221 = tpu.memref_slice %dma_start3A_1218[%dma_start3A_1219, %dma_start3A_1220] : memref<512x128xf32, #tpu.memory_space<hbm>> -> memref<128x128xf32, #tpu.memory_space<hbm>>
    %dma_start3A_1222 = arith.constant 0 : i32
    %dma_start3A_1223 = arith.constant 0 : i32
    %dma_start3A_1224 = tpu.memref_slice %arg9[%dma_start3A_1222, %dma_start3A_1223] : memref<512x128xf32, #tpu.memory_space<vmem>> -> memref<128x128xf32, #tpu.memory_space<vmem>>
    tpu.enqueue_dma source(%dma_start3A_1224 : memref<128x128xf32, #tpu.memory_space<vmem>>) target(%dma_start3A_1221 : memref<128x128xf32, #tpu.memory_space<hbm>>) target_semaphore(%arg15 : memref<!tpu.dma_semaphore, #tpu.memory_space<semaphore_mem>>)
    %dma_wait3A_1225 = arith.constant 1 : i32
    %dma_wait3A_1226 = arith.constant 128 : i32
    %dma_wait3A_1227 = arith.constant 0 : i32
    %dma_wait3A_1228 = tpu.memref_slice %arg9[%dma_wait3A_1226, %dma_wait3A_1227] : memref<512x128xf32, #tpu.memory_space<vmem>> -> memref<128x128xf32, #tpu.memory_space<vmem>>
    %dma_wait3A_1229 = arith.constant 0 : i32
    %dma_wait3A_1230 = tpu.memref_slice %arg8[%dma_wait3A_1225, %dma_wait3A_1229] : memref<4x128xi32, #tpu.memory_space<vmem>> -> memref<1x128xi32, #tpu.memory_space<vmem>>
    %dma_wait3A_1231 = tpu.memref_squeeze %dma_wait3A_1230 : memref<1x128xi32, #tpu.memory_space<vmem>> -> memref<128xi32, #tpu.memory_space<vmem>>
    %dma_wait3A_1232 = arith.constant 0 : i32
    %dma_wait3A_1233 = arith.constant 0 : i32
    %dma_wait3A_1234 = tpu.memref_slice %arg10[%dma_wait3A_1232, %dma_wait3A_1233] : memref<256x128xf32, #tpu.memory_space<vmem_shared>> -> memref<256x128xf32, #tpu.memory_space<vmem_shared>>
    tpu.wait_indirect_dma semaphore(%arg12 : memref<!tpu.dma_semaphore, #tpu.memory_space<semaphore_mem>>) src(%dma_wait3A_1234 : memref<256x128xf32, #tpu.memory_space<vmem_shared>>) dst(%dma_wait3A_1228 : memref<128x128xf32, #tpu.memory_space<vmem>>)
    %dma_start3A_1235 = arith.constant 128 : i32
    %dma_start3A_1236 = arith.constant 0 : i32
    %dma_start3A_1237 = tpu.memref_slice %arg9[%dma_start3A_1235, %dma_start3A_1236] : memref<512x128xf32, #tpu.memory_space<vmem>> -> memref<128x128xf32, #tpu.memory_space<vmem>>
    %dma_start3A_1238 = arith.constant 0 : i32
    %dma_start3A_1239 = arith.constant 0 : i32
    %dma_start3A_1240 = tpu.memref_slice %arg4[%add3A, %dma_start3A_1238, %dma_start3A_1239] : memref<32x512x128xf32, #tpu.memory_space<hbm>> -> memref<1x512x128xf32, #tpu.memory_space<hbm>>
    %dma_start3A_1241 = tpu.memref_squeeze %dma_start3A_1240 : memref<1x512x128xf32, #tpu.memory_space<hbm>> -> memref<512x128xf32, #tpu.memory_space<hbm>>
    %dma_start3A_1242 = arith.constant 128 : i32
    %dma_start3A_1243 = arith.constant 0 : i32
    %dma_start3A_1244 = tpu.memref_slice %dma_start3A_1241[%dma_start3A_1242, %dma_start3A_1243] : memref<512x128xf32, #tpu.memory_space<hbm>> -> memref<128x128xf32, #tpu.memory_space<hbm>>
    %dma_start3A_1245 = arith.constant 0 : i32
    %dma_start3A_1246 = arith.constant 0 : i32
    %dma_start3A_1247 = tpu.memref_slice %arg4[%add3A, %dma_start3A_1245, %dma_start3A_1246] : memref<32x512x128xf32, #tpu.memory_space<hbm>> -> memref<1x512x128xf32, #tpu.memory_space<hbm>>
    %dma_start3A_1248 = tpu.memref_squeeze %dma_start3A_1247 : memref<1x512x128xf32, #tpu.memory_space<hbm>> -> memref<512x128xf32, #tpu.memory_space<hbm>>
    %dma_start3A_1249 = arith.constant 128 : i32
    %dma_start3A_1250 = arith.constant 0 : i32
    %dma_start3A_1251 = tpu.memref_slice %dma_start3A_1248[%dma_start3A_1249, %dma_start3A_1250] : memref<512x128xf32, #tpu.memory_space<hbm>> -> memref<128x128xf32, #tpu.memory_space<hbm>>
    %dma_start3A_1252 = arith.constant 128 : i32
    %dma_start3A_1253 = arith.constant 0 : i32
    %dma_start3A_1254 = tpu.memref_slice %arg9[%dma_start3A_1252, %dma_start3A_1253] : memref<512x128xf32, #tpu.memory_space<vmem>> -> memref<128x128xf32, #tpu.memory_space<vmem>>
    tpu.enqueue_dma source(%dma_start3A_1254 : memref<128x128xf32, #tpu.memory_space<vmem>>) target(%dma_start3A_1251 : memref<128x128xf32, #tpu.memory_space<hbm>>) target_semaphore(%arg16 : memref<!tpu.dma_semaphore, #tpu.memory_space<semaphore_mem>>)
    %dma_wait3A_1255 = arith.constant 2 : i32
    %dma_wait3A_1256 = arith.constant 256 : i32
    %dma_wait3A_1257 = arith.constant 0 : i32
    %dma_wait3A_1258 = tpu.memref_slice %arg9[%dma_wait3A_1256, %dma_wait3A_1257] : memref<512x128xf32, #tpu.memory_space<vmem>> -> memref<128x128xf32, #tpu.memory_space<vmem>>
    %dma_wait3A_1259 = arith.constant 0 : i32
    %dma_wait3A_1260 = tpu.memref_slice %arg8[%dma_wait3A_1255, %dma_wait3A_1259] : memref<4x128xi32, #tpu.memory_space<vmem>> -> memref<1x128xi32, #tpu.memory_space<vmem>>
    %dma_wait3A_1261 = tpu.memref_squeeze %dma_wait3A_1260 : memref<1x128xi32, #tpu.memory_space<vmem>> -> memref<128xi32, #tpu.memory_space<vmem>>
    %dma_wait3A_1262 = arith.constant 0 : i32
    %dma_wait3A_1263 = arith.constant 0 : i32
    %dma_wait3A_1264 = tpu.memref_slice %arg10[%dma_wait3A_1262, %dma_wait3A_1263] : memref<256x128xf32, #tpu.memory_space<vmem_shared>> -> memref<256x128xf32, #tpu.memory_space<vmem_shared>>
    tpu.wait_indirect_dma semaphore(%arg13 : memref<!tpu.dma_semaphore, #tpu.memory_space<semaphore_mem>>) src(%dma_wait3A_1264 : memref<256x128xf32, #tpu.memory_space<vmem_shared>>) dst(%dma_wait3A_1258 : memref<128x128xf32, #tpu.memory_space<vmem>>)
    %dma_start3A_1265 = arith.constant 256 : i32
    %dma_start3A_1266 = arith.constant 0 : i32
    %dma_start3A_1267 = tpu.memref_slice %arg9[%dma_start3A_1265, %dma_start3A_1266] : memref<512x128xf32, #tpu.memory_space<vmem>> -> memref<128x128xf32, #tpu.memory_space<vmem>>
    %dma_start3A_1268 = arith.constant 0 : i32
    %dma_start3A_1269 = arith.constant 0 : i32
    %dma_start3A_1270 = tpu.memref_slice %arg4[%add3A, %dma_start3A_1268, %dma_start3A_1269] : memref<32x512x128xf32, #tpu.memory_space<hbm>> -> memref<1x512x128xf32, #tpu.memory_space<hbm>>
    %dma_start3A_1271 = tpu.memref_squeeze %dma_start3A_1270 : memref<1x512x128xf32, #tpu.memory_space<hbm>> -> memref<512x128xf32, #tpu.memory_space<hbm>>
    %dma_start3A_1272 = arith.constant 256 : i32
    %dma_start3A_1273 = arith.constant 0 : i32
    %dma_start3A_1274 = tpu.memref_slice %dma_start3A_1271[%dma_start3A_1272, %dma_start3A_1273] : memref<512x128xf32, #tpu.memory_space<hbm>> -> memref<128x128xf32, #tpu.memory_space<hbm>>
    %dma_start3A_1275 = arith.constant 0 : i32
    %dma_start3A_1276 = arith.constant 0 : i32
    %dma_start3A_1277 = tpu.memref_slice %arg4[%add3A, %dma_start3A_1275, %dma_start3A_1276] : memref<32x512x128xf32, #tpu.memory_space<hbm>> -> memref<1x512x128xf32, #tpu.memory_space<hbm>>
    %dma_start3A_1278 = tpu.memref_squeeze %dma_start3A_1277 : memref<1x512x128xf32, #tpu.memory_space<hbm>> -> memref<512x128xf32, #tpu.memory_space<hbm>>
    %dma_start3A_1279 = arith.constant 256 : i32
    %dma_start3A_1280 = arith.constant 0 : i32
    %dma_start3A_1281 = tpu.memref_slice %dma_start3A_1278[%dma_start3A_1279, %dma_start3A_1280] : memref<512x128xf32, #tpu.memory_space<hbm>> -> memref<128x128xf32, #tpu.memory_space<hbm>>
    %dma_start3A_1282 = arith.constant 256 : i32
    %dma_start3A_1283 = arith.constant 0 : i32
    %dma_start3A_1284 = tpu.memref_slice %arg9[%dma_start3A_1282, %dma_start3A_1283] : memref<512x128xf32, #tpu.memory_space<vmem>> -> memref<128x128xf32, #tpu.memory_space<vmem>>
    tpu.enqueue_dma source(%dma_start3A_1284 : memref<128x128xf32, #tpu.memory_space<vmem>>) target(%dma_start3A_1281 : memref<128x128xf32, #tpu.memory_space<hbm>>) target_semaphore(%arg17 : memref<!tpu.dma_semaphore, #tpu.memory_space<semaphore_mem>>)
    %dma_wait3A_1285 = arith.constant 3 : i32
    %dma_wait3A_1286 = arith.constant 384 : i32
    %dma_wait3A_1287 = arith.constant 0 : i32
    %dma_wait3A_1288 = tpu.memref_slice %arg9[%dma_wait3A_1286, %dma_wait3A_1287] : memref<512x128xf32, #tpu.memory_space<vmem>> -> memref<128x128xf32, #tpu.memory_space<vmem>>
    %dma_wait3A_1289 = arith.constant 0 : i32
    %dma_wait3A_1290 = tpu.memref_slice %arg8[%dma_wait3A_1285, %dma_wait3A_1289] : memref<4x128xi32, #tpu.memory_space<vmem>> -> memref<1x128xi32, #tpu.memory_space<vmem>>
    %dma_wait3A_1291 = tpu.memref_squeeze %dma_wait3A_1290 : memref<1x128xi32, #tpu.memory_space<vmem>> -> memref<128xi32, #tpu.memory_space<vmem>>
    %dma_wait3A_1292 = arith.constant 0 : i32
    %dma_wait3A_1293 = arith.constant 0 : i32
    %dma_wait3A_1294 = tpu.memref_slice %arg10[%dma_wait3A_1292, %dma_wait3A_1293] : memref<256x128xf32, #tpu.memory_space<vmem_shared>> -> memref<256x128xf32, #tpu.memory_space<vmem_shared>>
    tpu.wait_indirect_dma semaphore(%arg14 : memref<!tpu.dma_semaphore, #tpu.memory_space<semaphore_mem>>) src(%dma_wait3A_1294 : memref<256x128xf32, #tpu.memory_space<vmem_shared>>) dst(%dma_wait3A_1288 : memref<128x128xf32, #tpu.memory_space<vmem>>)
    %dma_start3A_1295 = arith.constant 384 : i32
    %dma_start3A_1296 = arith.constant 0 : i32
    %dma_start3A_1297 = tpu.memref_slice %arg9[%dma_start3A_1295, %dma_start3A_1296] : memref<512x128xf32, #tpu.memory_space<vmem>> -> memref<128x128xf32, #tpu.memory_space<vmem>>
    %dma_start3A_1298 = arith.constant 0 : i32
    %dma_start3A_1299 = arith.constant 0 : i32
    %dma_start3A_1300 = tpu.memref_slice %arg4[%add3A, %dma_start3A_1298, %dma_start3A_1299] : memref<32x512x128xf32, #tpu.memory_space<hbm>> -> memref<1x512x128xf32, #tpu.memory_space<hbm>>
    %dma_start3A_1301 = tpu.memref_squeeze %dma_start3A_1300 : memref<1x512x128xf32, #tpu.memory_space<hbm>> -> memref<512x128xf32, #tpu.memory_space<hbm>>
    %dma_start3A_1302 = arith.constant 384 : i32
    %dma_start3A_1303 = arith.constant 0 : i32
    %dma_start3A_1304 = tpu.memref_slice %dma_start3A_1301[%dma_start3A_1302, %dma_start3A_1303] : memref<512x128xf32, #tpu.memory_space<hbm>> -> memref<128x128xf32, #tpu.memory_space<hbm>>
    %dma_start3A_1305 = arith.constant 0 : i32
    %dma_start3A_1306 = arith.constant 0 : i32
    %dma_start3A_1307 = tpu.memref_slice %arg4[%add3A, %dma_start3A_1305, %dma_start3A_1306] : memref<32x512x128xf32, #tpu.memory_space<hbm>> -> memref<1x512x128xf32, #tpu.memory_space<hbm>>
    %dma_start3A_1308 = tpu.memref_squeeze %dma_start3A_1307 : memref<1x512x128xf32, #tpu.memory_space<hbm>> -> memref<512x128xf32, #tpu.memory_space<hbm>>
    %dma_start3A_1309 = arith.constant 384 : i32
    %dma_start3A_1310 = arith.constant 0 : i32
    %dma_start3A_1311 = tpu.memref_slice %dma_start3A_1308[%dma_start3A_1309, %dma_start3A_1310] : memref<512x128xf32, #tpu.memory_space<hbm>> -> memref<128x128xf32, #tpu.memory_space<hbm>>
    %dma_start3A_1312 = arith.constant 384 : i32
    %dma_start3A_1313 = arith.constant 0 : i32
    %dma_start3A_1314 = tpu.memref_slice %arg9[%dma_start3A_1312, %dma_start3A_1313] : memref<512x128xf32, #tpu.memory_space<vmem>> -> memref<128x128xf32, #tpu.memory_space<vmem>>
    tpu.enqueue_dma source(%dma_start3A_1314 : memref<128x128xf32, #tpu.memory_space<vmem>>) target(%dma_start3A_1311 : memref<128x128xf32, #tpu.memory_space<hbm>>) target_semaphore(%arg18 : memref<!tpu.dma_semaphore, #tpu.memory_space<semaphore_mem>>)
    %dma_wait3A_1315 = arith.constant 0 : i32
    %dma_wait3A_1316 = arith.constant 0 : i32
    %dma_wait3A_1317 = tpu.memref_slice %arg9[%dma_wait3A_1315, %dma_wait3A_1316] : memref<512x128xf32, #tpu.memory_space<vmem>> -> memref<128x128xf32, #tpu.memory_space<vmem>>
    %dma_wait3A_1318 = arith.constant 0 : i32
    %dma_wait3A_1319 = arith.constant 0 : i32
    %dma_wait3A_1320 = tpu.memref_slice %arg4[%add3A, %dma_wait3A_1318, %dma_wait3A_1319] : memref<32x512x128xf32, #tpu.memory_space<hbm>> -> memref<1x512x128xf32, #tpu.memory_space<hbm>>
    %dma_wait3A_1321 = tpu.memref_squeeze %dma_wait3A_1320 : memref<1x512x128xf32, #tpu.memory_space<hbm>> -> memref<512x128xf32, #tpu.memory_space<hbm>>
    %dma_wait3A_1322 = arith.constant 0 : i32
    %dma_wait3A_1323 = arith.constant 0 : i32
    %dma_wait3A_1324 = tpu.memref_slice %dma_wait3A_1321[%dma_wait3A_1322, %dma_wait3A_1323] : memref<512x128xf32, #tpu.memory_space<hbm>> -> memref<128x128xf32, #tpu.memory_space<hbm>>
    %dma_wait3A_1325 = arith.constant 0 : i32
    %dma_wait3A_1326 = arith.constant 0 : i32
    %dma_wait3A_1327 = tpu.memref_slice %arg4[%add3A, %dma_wait3A_1325, %dma_wait3A_1326] : memref<32x512x128xf32, #tpu.memory_space<hbm>> -> memref<1x512x128xf32, #tpu.memory_space<hbm>>
    %dma_wait3A_1328 = tpu.memref_squeeze %dma_wait3A_1327 : memref<1x512x128xf32, #tpu.memory_space<hbm>> -> memref<512x128xf32, #tpu.memory_space<hbm>>
    %dma_wait3A_1329 = arith.constant 0 : i32
    %dma_wait3A_1330 = arith.constant 0 : i32
    %dma_wait3A_1331 = tpu.memref_slice %dma_wait3A_1328[%dma_wait3A_1329, %dma_wait3A_1330] : memref<512x128xf32, #tpu.memory_space<hbm>> -> memref<128x128xf32, #tpu.memory_space<hbm>>
    %dma_wait3A_1332 = arith.constant 0 : i32
    %dma_wait3A_1333 = arith.constant 0 : i32
    %dma_wait3A_1334 = tpu.memref_slice %arg9[%dma_wait3A_1332, %dma_wait3A_1333] : memref<512x128xf32, #tpu.memory_space<vmem>> -> memref<128x128xf32, #tpu.memory_space<vmem>>
    tpu.wait_dma2 semaphore(%arg15 : memref<!tpu.dma_semaphore, #tpu.memory_space<semaphore_mem>>) src(%dma_wait3A_1334 : memref<128x128xf32, #tpu.memory_space<vmem>>) dst(%dma_wait3A_1331 : memref<128x128xf32, #tpu.memory_space<hbm>>)
    %dma_wait3A_1335 = arith.constant 128 : i32
    %dma_wait3A_1336 = arith.constant 0 : i32
    %dma_wait3A_1337 = tpu.memref_slice %arg9[%dma_wait3A_1335, %dma_wait3A_1336] : memref<512x128xf32, #tpu.memory_space<vmem>> -> memref<128x128xf32, #tpu.memory_space<vmem>>
    %dma_wait3A_1338 = arith.constant 0 : i32
    %dma_wait3A_1339 = arith.constant 0 : i32
    %dma_wait3A_1340 = tpu.memref_slice %arg4[%add3A, %dma_wait3A_1338, %dma_wait3A_1339] : memref<32x512x128xf32, #tpu.memory_space<hbm>> -> memref<1x512x128xf32, #tpu.memory_space<hbm>>
    %dma_wait3A_1341 = tpu.memref_squeeze %dma_wait3A_1340 : memref<1x512x128xf32, #tpu.memory_space<hbm>> -> memref<512x128xf32, #tpu.memory_space<hbm>>
    %dma_wait3A_1342 = arith.constant 128 : i32
    %dma_wait3A_1343 = arith.constant 0 : i32
    %dma_wait3A_1344 = tpu.memref_slice %dma_wait3A_1341[%dma_wait3A_1342, %dma_wait3A_1343] : memref<512x128xf32, #tpu.memory_space<hbm>> -> memref<128x128xf32, #tpu.memory_space<hbm>>
    %dma_wait3A_1345 = arith.constant 0 : i32
    %dma_wait3A_1346 = arith.constant 0 : i32
    %dma_wait3A_1347 = tpu.memref_slice %arg4[%add3A, %dma_wait3A_1345, %dma_wait3A_1346] : memref<32x512x128xf32, #tpu.memory_space<hbm>> -> memref<1x512x128xf32, #tpu.memory_space<hbm>>
    %dma_wait3A_1348 = tpu.memref_squeeze %dma_wait3A_1347 : memref<1x512x128xf32, #tpu.memory_space<hbm>> -> memref<512x128xf32, #tpu.memory_space<hbm>>
    %dma_wait3A_1349 = arith.constant 128 : i32
    %dma_wait3A_1350 = arith.constant 0 : i32
    %dma_wait3A_1351 = tpu.memref_slice %dma_wait3A_1348[%dma_wait3A_1349, %dma_wait3A_1350] : memref<512x128xf32, #tpu.memory_space<hbm>> -> memref<128x128xf32, #tpu.memory_space<hbm>>
    %dma_wait3A_1352 = arith.constant 128 : i32
    %dma_wait3A_1353 = arith.constant 0 : i32
    %dma_wait3A_1354 = tpu.memref_slice %arg9[%dma_wait3A_1352, %dma_wait3A_1353] : memref<512x128xf32, #tpu.memory_space<vmem>> -> memref<128x128xf32, #tpu.memory_space<vmem>>
    tpu.wait_dma2 semaphore(%arg16 : memref<!tpu.dma_semaphore, #tpu.memory_space<semaphore_mem>>) src(%dma_wait3A_1354 : memref<128x128xf32, #tpu.memory_space<vmem>>) dst(%dma_wait3A_1351 : memref<128x128xf32, #tpu.memory_space<hbm>>)
    %dma_wait3A_1355 = arith.constant 256 : i32
    %dma_wait3A_1356 = arith.constant 0 : i32
    %dma_wait3A_1357 = tpu.memref_slice %arg9[%dma_wait3A_1355, %dma_wait3A_1356] : memref<512x128xf32, #tpu.memory_space<vmem>> -> memref<128x128xf32, #tpu.memory_space<vmem>>
    %dma_wait3A_1358 = arith.constant 0 : i32
    %dma_wait3A_1359 = arith.constant 0 : i32
    %dma_wait3A_1360 = tpu.memref_slice %arg4[%add3A, %dma_wait3A_1358, %dma_wait3A_1359] : memref<32x512x128xf32, #tpu.memory_space<hbm>> -> memref<1x512x128xf32, #tpu.memory_space<hbm>>
    %dma_wait3A_1361 = tpu.memref_squeeze %dma_wait3A_1360 : memref<1x512x128xf32, #tpu.memory_space<hbm>> -> memref<512x128xf32, #tpu.memory_space<hbm>>
    %dma_wait3A_1362 = arith.constant 256 : i32
    %dma_wait3A_1363 = arith.constant 0 : i32
    %dma_wait3A_1364 = tpu.memref_slice %dma_wait3A_1361[%dma_wait3A_1362, %dma_wait3A_1363] : memref<512x128xf32, #tpu.memory_space<hbm>> -> memref<128x128xf32, #tpu.memory_space<hbm>>
    %dma_wait3A_1365 = arith.constant 0 : i32
    %dma_wait3A_1366 = arith.constant 0 : i32
    %dma_wait3A_1367 = tpu.memref_slice %arg4[%add3A, %dma_wait3A_1365, %dma_wait3A_1366] : memref<32x512x128xf32, #tpu.memory_space<hbm>> -> memref<1x512x128xf32, #tpu.memory_space<hbm>>
    %dma_wait3A_1368 = tpu.memref_squeeze %dma_wait3A_1367 : memref<1x512x128xf32, #tpu.memory_space<hbm>> -> memref<512x128xf32, #tpu.memory_space<hbm>>
    %dma_wait3A_1369 = arith.constant 256 : i32
    %dma_wait3A_1370 = arith.constant 0 : i32
    %dma_wait3A_1371 = tpu.memref_slice %dma_wait3A_1368[%dma_wait3A_1369, %dma_wait3A_1370] : memref<512x128xf32, #tpu.memory_space<hbm>> -> memref<128x128xf32, #tpu.memory_space<hbm>>
    %dma_wait3A_1372 = arith.constant 256 : i32
    %dma_wait3A_1373 = arith.constant 0 : i32
    %dma_wait3A_1374 = tpu.memref_slice %arg9[%dma_wait3A_1372, %dma_wait3A_1373] : memref<512x128xf32, #tpu.memory_space<vmem>> -> memref<128x128xf32, #tpu.memory_space<vmem>>
    tpu.wait_dma2 semaphore(%arg17 : memref<!tpu.dma_semaphore, #tpu.memory_space<semaphore_mem>>) src(%dma_wait3A_1374 : memref<128x128xf32, #tpu.memory_space<vmem>>) dst(%dma_wait3A_1371 : memref<128x128xf32, #tpu.memory_space<hbm>>)
    %dma_wait3A_1375 = arith.constant 384 : i32
    %dma_wait3A_1376 = arith.constant 0 : i32
    %dma_wait3A_1377 = tpu.memref_slice %arg9[%dma_wait3A_1375, %dma_wait3A_1376] : memref<512x128xf32, #tpu.memory_space<vmem>> -> memref<128x128xf32, #tpu.memory_space<vmem>>
    %dma_wait3A_1378 = arith.constant 0 : i32
    %dma_wait3A_1379 = arith.constant 0 : i32
    %dma_wait3A_1380 = tpu.memref_slice %arg4[%add3A, %dma_wait3A_1378, %dma_wait3A_1379] : memref<32x512x128xf32, #tpu.memory_space<hbm>> -> memref<1x512x128xf32, #tpu.memory_space<hbm>>
    %dma_wait3A_1381 = tpu.memref_squeeze %dma_wait3A_1380 : memref<1x512x128xf32, #tpu.memory_space<hbm>> -> memref<512x128xf32, #tpu.memory_space<hbm>>
    %dma_wait3A_1382 = arith.constant 384 : i32
    %dma_wait3A_1383 = arith.constant 0 : i32
    %dma_wait3A_1384 = tpu.memref_slice %dma_wait3A_1381[%dma_wait3A_1382, %dma_wait3A_1383] : memref<512x128xf32, #tpu.memory_space<hbm>> -> memref<128x128xf32, #tpu.memory_space<hbm>>
    %dma_wait3A_1385 = arith.constant 0 : i32
    %dma_wait3A_1386 = arith.constant 0 : i32
    %dma_wait3A_1387 = tpu.memref_slice %arg4[%add3A, %dma_wait3A_1385, %dma_wait3A_1386] : memref<32x512x128xf32, #tpu.memory_space<hbm>> -> memref<1x512x128xf32, #tpu.memory_space<hbm>>
    %dma_wait3A_1388 = tpu.memref_squeeze %dma_wait3A_1387 : memref<1x512x128xf32, #tpu.memory_space<hbm>> -> memref<512x128xf32, #tpu.memory_space<hbm>>
    %dma_wait3A_1389 = arith.constant 384 : i32
    %dma_wait3A_1390 = arith.constant 0 : i32
    %dma_wait3A_1391 = tpu.memref_slice %dma_wait3A_1388[%dma_wait3A_1389, %dma_wait3A_1390] : memref<512x128xf32, #tpu.memory_space<hbm>> -> memref<128x128xf32, #tpu.memory_space<hbm>>
    %dma_wait3A_1392 = arith.constant 384 : i32
    %dma_wait3A_1393 = arith.constant 0 : i32
    %dma_wait3A_1394 = tpu.memref_slice %arg9[%dma_wait3A_1392, %dma_wait3A_1393] : memref<512x128xf32, #tpu.memory_space<vmem>> -> memref<128x128xf32, #tpu.memory_space<vmem>>
    tpu.wait_dma2 semaphore(%arg18 : memref<!tpu.dma_semaphore, #tpu.memory_space<semaphore_mem>>) src(%dma_wait3A_1394 : memref<128x128xf32, #tpu.memory_space<vmem>>) dst(%dma_wait3A_1391 : memref<128x128xf32, #tpu.memory_space<hbm>>)
    return
  }
}

</mosaic_0001>

<sc_bundles>
// kernel: _fg_bias_sc.3.cloned.1.call-start
scs
__scs_entry_jumppad:
0x0: {  	(pc) =	sbr.rel $0x88, $3  }
0x1: {  	(tag) =	ssettag $0x0;
	lr =	simm.s32 $0x1  }
0x2: {  	[smem:$0x3F9F] =	sst lr;
	_ =	strace $0xD0000000  }
0x3: {  	_ = 	snop  }
0x4: {  	_ = 	snop  }
0x5: {  	_ = 	snop  }
0x6: {  	_ = 	snop  }
0x7: {  	_ = 	snop  }
__scs_overlays_trampoline_lowered:
0x8: {  	[smem:$0x3FAE] =	sst s0  }
0x9: {  	[smem:$0x3FAF] =	sst s1  }
0xa: {  	[smem:$0x3FB0] =	sst s2  }
0xb: {  	[smem:$0x3FB1] =	sst s3  }
0xc: {  	[smem:$0x3FB2] =	sst s4  }
0xd: {  	[smem:$0x3FB3] =	sst s5  }
0xe: {  	[smem:$0x3FB4] =	sst s6  }
0xf: {  	[smem:$0x3FB5] =	sst s7  }
0x10: {  	[smem:$0x3FB6] =	sst s8  }
0x11: {  	[smem:$0x3FB7] =	sst s9;
	s0 =	simm.s32 @!p0 $0x0  }
0x12: {  	s1 =	sld [smem:$0x3F9D];
	s0 =	simm.s32 @p0 $0x1  }
0x13: {  	[smem:$0x3FB8] =	sst s0;
	s0 =	simm.s32 @!p1 $0x0  }
0x14: {  	s2 =	sld [smem:$0x3F9C];
	s0 =	simm.s32 @p1 $0x1  }
0x15: {  	[smem:$0x3FB9] =	sst s0;
	s0 =	simm.s32 @!p2 $0x0  }
0x16: {  	s3 =	sld [smem:$0x3FDB];
	s0 =	simm.s32 @p2 $0x1  }
0x17: {  	s4 =	simm.s32 $0x1BF5;
	[smem:$0x3FBB] =	sst s0  }
0x18: {  	s0 =	sld [smem:$0x3F9E];
	_ =	swait.ge [sflag:s4], $0x0  }
0x19: {  	s7 =	sld [smem:$0x3F9F]  }
0x1a: {  	s8 =	sadd.s32 $0xFFFFE003, lr  }
0x1b: {  	s9 =	sadd.s32 $0xFFFFFEF7, lr;
	s5 =	simm.s32 $0xFFFFFFFF;
	p2 =	slt.u32 s8, $0xFFFFF086  }
0x1c: {  	p1 =	slt.u32 s9, $0xF7A;
	s5 =	simm.s32 @!p2 $0x0  }
0x1d: {  	s5 =	simm.s32 @p1 $0x1;
	p0 =	seq.s32 s7, s2  }
0x1e: {  	s7 =	smul.u32 @!p0 $0xF7A, s2;
	p2 =	seq.s32 @!p0 s5, $0x0  }
0x1f: {  	s9 =	smul.u32 $0xF7A, s1;
	s8 =	simm.s32 @!p0 $0x1BF5;
	p2 =	por !p2, p0  }
0x20: {  	[sflag:s8] =	ssyncset.s32 @!p0 $0xFFFFF086;
	s6 =	sadd.s32 @!p0 s3, s7;
	s7 =	simm.s32 @!p0 $0x108  }
0x21: {  	s3 =	sadd.s32 s3, s9;
	s6 =	sadd.s32 @!p0 $0x88, s6;
	s7 =	simm.s32 @p2 $0x1082  }
0x22: {  	[simem:s7], [sflag:s8] =	dma.local @!p0 [hbm:s6], $0xF7A  }
0x23: {  	s9 =	sor.u32 $0xD0000000, s2;
	s6 =	simm.s32 $0x108;
	_ =	swait.ge @!p0 [sflag:s8], $0x0  }
0x24: {  	s3 =	sadd.s32 $0x88, s3;
	s6 =	simm.s32 @!p1 $0x1082;
	[sflag:s4] =	ssyncset.s32 $0xFFFFF086  }
0x25: {  	[simem:s6], [sflag:s4] =	dma.local [hbm:s3], $0xF7A  }
0x26: {  	[smem:$0x3F9F] =	sst s1;
	(tag) =	ssettag s2;
	_ =	strace s9  }
0x27: {  	s1 =	sld [smem:$0x3FAF]  }
0x28: {  	s2 =	sld [smem:$0x3FB0]  }
0x29: {  	s4 =	sld [smem:$0x3FB2]  }
0x2a: {  	p0 =	seq.s32 s5, $0x0;
	s5 =	sld [smem:$0x3FB3]  }
0x2b: {  	s6 =	sld [smem:$0x3FB4]  }
0x2c: {  	s7 =	sld [smem:$0x3FB5]  }
0x2d: {  	s3 =	simm.s32 $0x108;
	s8 =	sld [smem:$0x3FB6]  }
0x2e: {  	s3 =	simm.s32 @!p0 $0x1082;
	s9 =	sld [smem:$0x3FB7]  }
0x2f: {  	lr =	sadd.s32 s0, s3;
	s0 =	sld [smem:$0x3FAE]  }
0x30: {  	s3 =	sld [smem:$0x3FB1]  }
0x31: {  	[smem:$0x3FBA] =	sst s10  }
0x32: {  	s10 =	sld [smem:$0x3FB8];
	_ =	sdelay $0x3  }
0x33: {  	p0 =	seq.s32 s10, $0x1;
	s10 =	sld [smem:$0x3FBA];
	_ =	sdelay $0x3  }
0x34: {  	[smem:$0x3FBA] =	sst s10  }
0x35: {  	s10 =	sld [smem:$0x3FB9];
	_ =	sdelay $0x3  }
0x36: {  	p1 =	seq.s32 s10, $0x1;
	s10 =	sld [smem:$0x3FBA];
	_ =	sdelay $0x3  }
0x37: {  	[smem:$0x3FBA] =	sst s10  }
0x38: {  	s10 =	sld [smem:$0x3FBB]  }
0x39: {  	_ = 	snop;
	(pc) =	sbr.ind lr, $3  }
0x3a: {  	_ = 	snop  }
0x3b: {  	_ = 	snop  }
0x3c: {  	p2 =	seq.s32 s10, $0x1;
	s10 =	sld [smem:$0x3FBA]  }
0x3d: {  	_ =	shalt  }
0x3e: {  	_ =	shalt  }
0x3f: {  	_ =	shalt  }
0x40: {  	_ =	shalt  }
0x41: {  	_ =	shalt  }
0x42: {  	_ =	shalt  }
0x43: {  	_ =	shalt  }
0x44: {  	_ =	shalt  }
0x45: {  	_ =	shalt  }
0x46: {  	_ =	shalt  }
0x47: {  	_ =	shalt  }
0x48: {  	_ =	shalt  }
0x49: {  	_ =	shalt  }
0x4a: {  	_ =	shalt  }
0x4b: {  	_ =	shalt  }
0x4c: {  	_ =	shalt  }
0x4d: {  	_ =	shalt  }
0x4e: {  	_ =	shalt  }
0x4f: {  	_ =	shalt  }
0x50: {  	_ =	shalt  }
0x51: {  	_ =	shalt  }
0x52: {  	_ =	shalt  }
0x53: {  	_ =	shalt  }
0x54: {  	_ =	shalt  }
0x55: {  	_ =	shalt  }
0x56: {  	_ =	shalt  }
0x57: {  	_ =	shalt  }
0x58: {  	_ =	shalt  }
0x59: {  	_ =	shalt  }
0x5a: {  	_ =	shalt  }
0x5b: {  	_ =	shalt  }
0x5c: {  	_ =	shalt  }
0x5d: {  	_ =	shalt  }
0x5e: {  	_ =	shalt  }
0x5f: {  	_ =	shalt  }
0x60: {  	_ =	shalt  }
0x61: {  	_ =	shalt  }
0x62: {  	_ =	shalt  }
0x63: {  	_ =	shalt  }
0x64: {  	_ =	shalt  }
0x65: {  	_ =	shalt  }
0x66: {  	_ =	shalt  }
0x67: {  	_ =	shalt  }
0x68: {  	_ =	shalt  }
0x69: {  	_ =	shalt  }
0x6a: {  	_ =	shalt  }
0x6b: {  	_ =	shalt  }
0x6c: {  	_ =	shalt  }
0x6d: {  	_ =	shalt  }
0x6e: {  	_ =	shalt  }
0x6f: {  	_ =	shalt  }
0x70: {  	_ =	shalt  }
0x71: {  	_ =	shalt  }
0x72: {  	_ =	shalt  }
0x73: {  	_ =	shalt  }
0x74: {  	_ =	shalt  }
0x75: {  	_ =	shalt  }
0x76: {  	_ =	shalt  }
0x77: {  	_ =	shalt  }
0x78: {  	_ =	shalt  }
0x79: {  	_ =	shalt  }
0x7a: {  	_ =	shalt  }
0x7b: {  	_ =	shalt  }
0x7c: {  	_ =	shalt  }
0x7d: {  	_ =	shalt  }
0x7e: {  	_ =	shalt  }
0x7f: {  	_ =	shalt  }
0x80: {  	_ =	shalt  }
0x81: {  	_ =	shalt  }
0x82: {  	_ =	shalt  }
0x83: {  	_ =	shalt  }
0x84: {  	_ =	shalt  }
0x85: {  	_ =	shalt  }
0x86: {  	_ =	shalt  }
0x87: {  	_ =	shalt  }
.Lfunc_end0:
.L_simem_size_0:
called_computation_lowered:
.L_overlay_start_0:
0x88: {  	s2 =	sld [smem:$0x3FD9]  }
0x89: {  	s3 =	sld [smem:$0x3FFE];
	_ =	sdelay $0x1  }
0x8a: {  	s1 =	srdreg.scid  }
0x8b: {  	s0 =	sand.u32 $0x1, s1  }
0x8c: {  	s17 =	sshll.u32 s0, $0xA;
	s2 =	sadd.s32 s3, s2  }
0x8d: {  	s2 =	sadd.s32 s2, s17  }
0x8e: {  	[smem:$0x3FC6] =	sst s2  }
0x8f: {  	_ = 	snop  }
0x90: {  	s2 =	sld [smem:$0x3FC8]  }
0x91: {  	s18 =	sld [smem:$0x3FD0];
	(tm) =	ssettm $0x1  }
0x92: {  	s4 =	sld [smem:$0x3FFB];
	_ =	sdelay $0x3  }
0x93: {  	_ =	strace s4  }
0x94: {  	s4 =	sld [smem:$0x3FFC];
	_ =	sdelay $0x3  }
0x95: {  	_ =	strace s4  }
0x96: {  	s4 =	sld [smem:$0x3FFD];
	_ =	sdelay $0x3  }
0x97: {  	_ =	strace s4  }
0x98: {  	_ =	strace $0x8FFFFFFF  }
0x99: {  	s19 =	sld [smem:$0x3FDB];
	_ =	sdelay $0x1  }
0x9a: {  	s5 =	simm.s32 $_scs_section_size  }
0x9b: {  	s6 =	simm.s32 $_size__tile_overlayer_lowered;
	s7 =	simm.s32 $_tile_overlayer_lowered  }
0x9c: {  	s22 =	simm.s32 $0x1BFF;
	s21 =	sshll.u32 s7, $0x1;
	s4 =	sadd.s32 s5, s19  }
0x9d: {  	s8 =	simm.s32 $0x0;
	s20 =	sshll.u32 s6, $0x1;
	s6 =	sadd.s32 s21, s4  }
0x9e: {  	[timem:s8], [sflag:s22] =	dma.local [hbm:s6], s20  }
0x9f: {  	_ =	swait.ge [sflag:s22], s20  }
0xa0: {  	s5 =	ssub.s32 $0x0, s20;
	[sflag:s22] =	ssyncset.done $0x0  }
0xa1: {  	[sflag:s22] =	ssyncadd.s32 s5;
	_ =	sdelay $0x1  }
0xa2: {  	s23 =	simm.s32 $0x1B8B  }
0xa3: {  	_ =	swait.ge [sflag:s23], $0x1  }
0xa4: {  	[sflag:s23] =	ssyncset.done $0x0  }
0xa5: {  	s25 =	simm.s32 $0x1B8E;
	s24 =	sld [smem:$0x3FFE];
	[sflag:s23] =	ssyncadd.s32 $0xFFFFFFFF  }
0xa6: {  	s26 =	simm.s32 $execute0_lowered;
	[smem:$0x3FD2] =	sst s25  }
0xa7: {  	s6 =	sshll.u32 s26, $0x1;
	_ =	strace $0x80000046;
	[dreg:$0x1] =	wrdreg $0xFFFFFFFF  }
0xa8: {  	s28 =	simm.s32 $_size_execute0_lowered;
	s4 =	sadd.s32 s4, s6;
	[dreg:$0x0] =	wrdreg $0x0  }
0xa9: {  	s6 =	sshll.u32 s28, $0x1;
	[dreg:$0x2] =	wrdreg s4  }
0xaa: {  	[dreg:$0x3] =	wrdreg s6  }
0xab: {  	[dreg:$0x4] =	wrdreg $0xC0  }
0xac: {  	_ =	task [dreg:s8], $0x5FFFF  }
0xad: {  	[dreg:$0x1] =	wrdreg $0xFFFFFFFF  }
0xae: {  	[dreg:$0x0] =	wrdreg $0x60  }
0xaf: {  	[dreg:$0x2] =	wrdreg s24  }
0xb0: {  	[dreg:$0x3] =	wrdreg s2  }
0xb1: {  	[dreg:$0x4] =	wrdreg s18  }
0xb2: {  	[dreg:$0x5] =	wrdreg $0x110100  }
0xb3: {  	[dreg:$0x6] =	wrdreg $0x9  }
0xb4: {  	_ =	task.clear_ibuf [dreg:s8], $0x7FFFF;
	_ =	strace $0x90000046  }
0xb5: {  	s29 =	simm.s32 $0x9;
	_ =	strace $0x80000048  }
0xb6: {  	_ =	swait.ge [sflag:s29], $0x1  }
0xb7: {  	[sflag:s29] =	ssyncadd.s32 $0xFFFFFFFF  }
0xb8: {  	_ =	strace $0x90000048  }
0xb9: {  	_ =	sfence  }
0xba: {  	s30 =	sld [smem:$0x0];
	_ =	sdelay $0x2  }
0xbb: {  	s31 =	sshll.u32 s1, $0xD;
	s1 =	sshrl.u32 s1, $0x2  }
0xbc: {  	s3 =	sand.u32 $0x4000, s31;
	s1 =	sadd.s32 s1, s30  }
0xbd: {  	s0 =	sor.u32 s3, s0;
	s1 =	sshll.u32 s1, $0x11  }
0xbe: {  	s0 =	sor.u32 s1, s0  }
0xbf: {  	s0 =	sadd.s32 $0x8F2B, s0  }
0xc0: {  	[sflag:s0] =	ssyncadd.remote.s32 $0x1  }
0xc1: {  	_ =	sfence.sel $0xFFFF  }
0xc2: {  	[dreg:$0x0] =	wrdreg $0xFFFFFFFF;
	(pc) =	sbr.abs _section_cstart, $3  }
0xc3: {  	[dreg:$0x1] =	wrdreg $0xFFFFFFFF  }
0xc4: {  	_ =	task.clear_ibuf [dreg:s8], $0x2FFFF;
	_ =	strace $0x9FFFFFFF  }
0xc5: {  	(tm) =	ssettm $0x7FFFFFFF  }
tec
execute0_lowered:
.L_overlay_start_1:
0x0: {  	(tag) =	ssettag $0x1  }
0x1: {  	s4 =	rddreg [dreg:$0x0]  }
0x2: {  	s1 =	rddreg [dreg:$0x1]  }
0x3: {  	s6 =	rddreg [dreg:$0x2]  }
0x4: {  	s2 =	rddreg [dreg:$0x3]  }
0x5: {  	s3 =	simm.s32 $0x0;
	s5 =	srdreg.scid;
	s9 =	simm.s32 $0x9  }
0x6: {  	s11 =	simm.s32 $0x80;
	s12 =	simm.s32 $0xE10;
	s13 =	simm.s32 $0x1010  }
0x7: {  	s14 =	simm.s32 $0xE90;
	s15 =	simm.s32 $0x5010;
	s16 =	simm.s32 $0xF10  }
0x8: {  	s17 =	simm.s32 $0x9010;
	s18 =	simm.s32 $0xF90;
	s19 =	simm.s32 $0xD010  }
0x9: {  	s20 =	simm.s32 $0x1;
	s7 =	sadd.s32 $0x400, s4;
	s5 =	sand.u32 $0x1, s5  }
0xa: {  	s4 =	stileid.u32;
	s8 =	ssub.s32 $0x2, s5;
	s5 =	sshll.u32 s5, $0x4  }
0xb: {  	s21 =	simm.s32 $0x2;
	s28 =	simm.s32 $0x5;
	s10 =	sor.u32 s4, s5  }
0xc: {  	s29 =	simm.s32 $0x6;
	s30 =	simm.s32 $0x7;
	[smem:$0x7FF] =	sst s3;
	v0 =	vmov s10  }
0xd: {  	v6 =	vlaneseq.u32;
	s31 =	simm.s32 $0x8;
	_ =	strace $0x80000047;
	[dreg:$0x5] =	wrdreg s7;
	v0 =	vmul.u32 $0x28, v0  }
0xe: {  	v3 =	vshrl.u32 v6, $0x3;
	s24 =	sshll.u32 s4, $0xB;
	s25 =	sshll.u32 s4, $0x4;
	s23 =	sshrl.u32 s8, $0x1  }
0xf: {  	s5 =	sadd.s32 s24, s2;
	v3 =	vor.u32 s25, v3;
	s25 =	simm.s32 $0x4;
	s7 =	ssub.s32 s8, s23;
	v0 =	vbroadcast v0, $0x0  }
0x10: {  	s26 =	sshll.u32 s10, $0xD;
	s8 =	simm.s32 $0x500;
	s10 =	simm.s32 $0x610  }
0x11: {  	v6 =	vand.u32 $0x7, v6;
	s23 =	simm.s32 $0x3;
	s6 =	sadd.s32 s6, s26;
	s7 =	smax.u32 s7, $0x1;
	v1 =	vadd.s32 $0x8, v0  }
0x12: {  	s22 =	sadd.s32 $0x800, s6;
	s24 =	sadd.s32 $0x1000, s6;
	s26 =	sadd.s32 $0x1800, s6;
	v2 =	vadd.s32 $0x10, v0;
	v4 =	vadd.s32 $0x18, v0;
	v5 =	vadd.s32 $0x20, v0  }
.LBB2_1:
0x13: {  	[tilespmem:s8], [sflag:$0x9] =	stream.linear.gather [hbm4b:s1+s3], $0x100, $0x38;
	[tilespmem:$0x11810] =	vst v63  }
0x14: {  	_ =	swait.ge [sflag:s9], $0x100  }
0x15: {  	[sflag:s9] =	ssyncset.done $0x0  }
0x16: {  	s0 =	rddreg [dreg:$0x5];
	[sflag:s9] =	ssyncadd.s32 $0xFFFFFF00  }
0x17: {  	[tilespmem:s3], [sflag:$0x9] =	stream.linear.gather [hbm4b:s0+s3], $0x500, $0x38;
	[tilespmem:$0x11810] =	vst v63  }
0x18: {  	_ =	swait.ge [sflag:s9], $0x500  }
0x19: {  	[sflag:s9] =	ssyncset.done $0x0  }
0x1a: {  	[sflag:s9] =	ssyncadd.s32 $0xFFFFFB00  }
0x1b: {  	v7 =	vld [tilespmem:$0x500];
	_ =	sdelay $0x4  }
0x1c: {  	v8 =	vand.u32 $0xFFFFFFF8, v7  }
0x1d: {  	v9 =	vld [tilespmem:$0x510];
	v7 =	vand.u32 $0x7, v7;
	v8 =	vadd.s32 v0, v8  }
0x1e: {  	v7 =	vor.u32 v7, v8;
	_ =	sdelay $0x3  }
0x1f: {  	v8 =	vand.u32 $0xFFFFFFF8, v9  }
0x20: {  	v9 =	vand.u32 $0x7, v9;
	v8 =	vadd.s32 v0, v8;
	v7 =	vld.idx.msk [tilespmem:v7+s3+$0x0], $0xffff  }
0x21: {  	v46 =	vld [tilespmem:$0x520];
	v8 =	vor.u32 v9, v8;
	_ =	sdelay $0x3  }
0x22: {  	[tilespmem:$0x610] =	vst v7  }
0x23: {  	v7 =	vld.idx.msk [tilespmem:v8+s3+$0x0], $0xffff;
	v8 =	vand.u32 $0xFFFFFFF8, v46  }
0x24: {  	v10 =	vld [tilespmem:$0x530];
	v9 =	vand.u32 $0x7, v46;
	v8 =	vadd.s32 v0, v8  }
0x25: {  	v8 =	vor.u32 v9, v8;
	_ =	sdelay $0x3  }
0x26: {  	v48 =	vld [tilespmem:$0x540];
	[tilespmem:$0x620] =	vst v7;
	v7 =	vand.u32 $0xFFFFFFF8, v10  }
0x27: {  	v47 =	vand.u32 $0x7, v10;
	v7 =	vadd.s32 v0, v7;
	v8 =	vld.idx.msk [tilespmem:v8+s3+$0x0], $0xffff  }
0x28: {  	v7 =	vor.u32 v47, v7;
	_ =	sdelay $0x3  }
0x29: {  	v49 =	vld [tilespmem:$0x550];
	[tilespmem:$0x630] =	vst v8;
	v8 =	vand.u32 $0xFFFFFFF8, v48  }
0x2a: {  	v9 =	vand.u32 $0x7, v48;
	v7 =	vld.idx.msk [tilespmem:v7+s3+$0x0], $0xffff;
	v8 =	vadd.s32 v0, v8  }
0x2b: {  	v8 =	vor.u32 v9, v8;
	_ =	sdelay $0x3  }
0x2c: {  	v51 =	vld [tilespmem:$0x560];
	[tilespmem:$0x640] =	vst v7;
	v7 =	vand.u32 $0xFFFFFFF8, v49  }
0x2d: {  	v50 =	vand.u32 $0x7, v49;
	v8 =	vld.idx.msk [tilespmem:v8+s3+$0x0], $0xffff;
	v7 =	vadd.s32 v0, v7  }
0x2e: {  	v7 =	vor.u32 v50, v7;
	_ =	sdelay $0x3  }
0x2f: {  	v52 =	vld [tilespmem:$0x570];
	[tilespmem:$0x650] =	vst v8;
	v8 =	vand.u32 $0xFFFFFFF8, v51  }
0x30: {  	v9 =	vand.u32 $0x7, v51;
	v7 =	vld.idx.msk [tilespmem:v7+s3+$0x0], $0xffff;
	v8 =	vadd.s32 v0, v8  }
0x31: {  	v8 =	vor.u32 v9, v8;
	_ =	sdelay $0x3  }
0x32: {  	v54 =	vld [tilespmem:$0x580];
	[tilespmem:$0x660] =	vst v7;
	v7 =	vand.u32 $0xFFFFFFF8, v52  }
0x33: {  	v53 =	vand.u32 $0x7, v52;
	v8 =	vld.idx.msk [tilespmem:v8+s3+$0x0], $0xffff;
	v7 =	vadd.s32 v0, v7  }
0x34: {  	v7 =	vor.u32 v53, v7;
	_ =	sdelay $0x3  }
0x35: {  	v55 =	vld [tilespmem:$0x590];
	[tilespmem:$0x670] =	vst v8;
	v8 =	vand.u32 $0xFFFFFFF8, v54  }
0x36: {  	v9 =	vand.u32 $0x7, v54;
	v7 =	vld.idx.msk [tilespmem:v7+s3+$0x0], $0xffff;
	v8 =	vadd.s32 v0, v8  }
0x37: {  	v8 =	vor.u32 v9, v8;
	_ =	sdelay $0x3  }
0x38: {  	v57 =	vld [tilespmem:$0x5A0];
	[tilespmem:$0x680] =	vst v7;
	v7 =	vand.u32 $0xFFFFFFF8, v55  }
0x39: {  	v56 =	vand.u32 $0x7, v55;
	v8 =	vld.idx.msk [tilespmem:v8+s3+$0x0], $0xffff;
	v7 =	vadd.s32 v0, v7  }
0x3a: {  	v7 =	vor.u32 v56, v7;
	_ =	sdelay $0x3  }
0x3b: {  	v58 =	vld [tilespmem:$0x5B0];
	[tilespmem:$0x690] =	vst v8;
	v8 =	vand.u32 $0xFFFFFFF8, v57  }
0x3c: {  	v9 =	vand.u32 $0x7, v57;
	v7 =	vld.idx.msk [tilespmem:v7+s3+$0x0], $0xffff;
	v8 =	vadd.s32 v0, v8  }
0x3d: {  	v8 =	vor.u32 v9, v8;
	_ =	sdelay $0x3  }
0x3e: {  	v60 =	vld [tilespmem:$0x5C0];
	[tilespmem:$0x6A0] =	vst v7;
	v7 =	vand.u32 $0xFFFFFFF8, v58  }
0x3f: {  	v59 =	vand.u32 $0x7, v58;
	v8 =	vld.idx.msk [tilespmem:v8+s3+$0x0], $0xffff;
	v7 =	vadd.s32 v0, v7  }
0x40: {  	v7 =	vor.u32 v59, v7;
	_ =	sdelay $0x3  }
0x41: {  	v61 =	vld [tilespmem:$0x5D0];
	[tilespmem:$0x6B0] =	vst v8;
	v8 =	vand.u32 $0xFFFFFFF8, v60  }
0x42: {  	v9 =	vand.u32 $0x7, v60;
	v7 =	vld.idx.msk [tilespmem:v7+s3+$0x0], $0xffff;
	v8 =	vadd.s32 v0, v8  }
0x43: {  	v8 =	vor.u32 v9, v8;
	_ =	sdelay $0x3  }
0x44: {  	v63 =	vld [tilespmem:$0x5E0];
	[tilespmem:$0x6C0] =	vst v7;
	v7 =	vand.u32 $0xFFFFFFF8, v61  }
0x45: {  	v62 =	vand.u32 $0x7, v61;
	v8 =	vld.idx.msk [tilespmem:v8+s3+$0x0], $0xffff;
	v7 =	vadd.s32 v0, v7  }
0x46: {  	v7 =	vor.u32 v62, v7;
	_ =	sdelay $0x3  }
0x47: {  	v12 =	vld [tilespmem:$0x5F0];
	[tilespmem:$0x6D0] =	vst v8;
	v8 =	vand.u32 $0xFFFFFFF8, v63  }
0x48: {  	v9 =	vand.u32 $0x7, v63;
	v7 =	vld.idx.msk [tilespmem:v7+s3+$0x0], $0xffff;
	v8 =	vadd.s32 v0, v8  }
0x49: {  	v8 =	vor.u32 v9, v8;
	_ =	sdelay $0x3  }
0x4a: {  	v14 =	vld [tilespmem:$0x500];
	[tilespmem:$0x6E0] =	vst v7;
	v7 =	vand.u32 $0xFFFFFFF8, v12  }
0x4b: {  	v13 =	vand.u32 $0x7, v12;
	v8 =	vld.idx.msk [tilespmem:v8+s3+$0x0], $0xffff;
	v7 =	vadd.s32 v0, v7  }
0x4c: {  	v7 =	vor.u32 v13, v7;
	_ =	sdelay $0x3  }
0x4d: {  	v15 =	vld [tilespmem:$0x510];
	[tilespmem:$0x6F0] =	vst v8;
	v8 =	vand.u32 $0xFFFFFFF8, v14  }
0x4e: {  	v9 =	vand.u32 $0x7, v14;
	v7 =	vld.idx.msk [tilespmem:v7+s3+$0x0], $0xffff;
	v8 =	vadd.s32 v1, v8  }
0x4f: {  	v8 =	vor.u32 v9, v8;
	_ =	sdelay $0x3  }
0x50: {  	v17 =	vld [tilespmem:$0x520];
	[tilespmem:$0x700] =	vst v7;
	v7 =	vand.u32 $0xFFFFFFF8, v15  }
0x51: {  	v16 =	vand.u32 $0x7, v15;
	v8 =	vld.idx.msk [tilespmem:v8+s3+$0x0], $0xffff;
	v7 =	vadd.s32 v1, v7  }
0x52: {  	v7 =	vor.u32 v16, v7;
	_ =	sdelay $0x3  }
0x53: {  	v18 =	vld [tilespmem:$0x530];
	[tilespmem:$0x710] =	vst v8;
	v8 =	vand.u32 $0xFFFFFFF8, v17  }
0x54: {  	v9 =	vand.u32 $0x7, v17;
	v7 =	vld.idx.msk [tilespmem:v7+s3+$0x0], $0xffff;
	v8 =	vadd.s32 v1, v8  }
0x55: {  	v8 =	vor.u32 v9, v8;
	_ =	sdelay $0x3  }
0x56: {  	v20 =	vld [tilespmem:$0x540];
	[tilespmem:$0x720] =	vst v7;
	v7 =	vand.u32 $0xFFFFFFF8, v18  }
0x57: {  	v19 =	vand.u32 $0x7, v18;
	v8 =	vld.idx.msk [tilespmem:v8+s3+$0x0], $0xffff;
	v7 =	vadd.s32 v1, v7  }
0x58: {  	v7 =	vor.u32 v19, v7;
	_ =	sdelay $0x3  }
0x59: {  	v21 =	vld [tilespmem:$0x550];
	[tilespmem:$0x730] =	vst v8;
	v8 =	vand.u32 $0xFFFFFFF8, v20  }
0x5a: {  	v9 =	vand.u32 $0x7, v20;
	v7 =	vld.idx.msk [tilespmem:v7+s3+$0x0], $0xffff;
	v8 =	vadd.s32 v1, v8  }
0x5b: {  	v8 =	vor.u32 v9, v8;
	_ =	sdelay $0x3  }
0x5c: {  	v23 =	vld [tilespmem:$0x560];
	[tilespmem:$0x740] =	vst v7;
	v7 =	vand.u32 $0xFFFFFFF8, v21  }
0x5d: {  	v22 =	vand.u32 $0x7, v21;
	v8 =	vld.idx.msk [tilespmem:v8+s3+$0x0], $0xffff;
	v7 =	vadd.s32 v1, v7  }
0x5e: {  	v7 =	vor.u32 v22, v7;
	_ =	sdelay $0x3  }
0x5f: {  	v24 =	vld [tilespmem:$0x570];
	[tilespmem:$0x750] =	vst v8;
	v8 =	vand.u32 $0xFFFFFFF8, v23  }
0x60: {  	v9 =	vand.u32 $0x7, v23;
	v7 =	vld.idx.msk [tilespmem:v7+s3+$0x0], $0xffff;
	v8 =	vadd.s32 v1, v8  }
0x61: {  	v8 =	vor.u32 v9, v8;
	_ =	sdelay $0x3  }
0x62: {  	v26 =	vld [tilespmem:$0x580];
	[tilespmem:$0x760] =	vst v7;
	v7 =	vand.u32 $0xFFFFFFF8, v24  }
0x63: {  	v25 =	vand.u32 $0x7, v24;
	v8 =	vld.idx.msk [tilespmem:v8+s3+$0x0], $0xffff;
	v7 =	vadd.s32 v1, v7  }
0x64: {  	v7 =	vor.u32 v25, v7;
	_ =	sdelay $0x3  }
0x65: {  	v27 =	vld [tilespmem:$0x590];
	[tilespmem:$0x770] =	vst v8;
	v8 =	vand.u32 $0xFFFFFFF8, v26  }
0x66: {  	v9 =	vand.u32 $0x7, v26;
	v7 =	vld.idx.msk [tilespmem:v7+s3+$0x0], $0xffff;
	v8 =	vadd.s32 v1, v8  }
0x67: {  	v8 =	vor.u32 v9, v8;
	_ =	sdelay $0x3  }
0x68: {  	v29 =	vld [tilespmem:$0x5A0];
	[tilespmem:$0x780] =	vst v7;
	v7 =	vand.u32 $0xFFFFFFF8, v27  }
0x69: {  	v28 =	vand.u32 $0x7, v27;
	v8 =	vld.idx.msk [tilespmem:v8+s3+$0x0], $0xffff;
	v7 =	vadd.s32 v1, v7  }
0x6a: {  	v7 =	vor.u32 v28, v7;
	_ =	sdelay $0x3  }
0x6b: {  	v30 =	vld [tilespmem:$0x5B0];
	[tilespmem:$0x790] =	vst v8;
	v8 =	vand.u32 $0xFFFFFFF8, v29  }
0x6c: {  	v9 =	vand.u32 $0x7, v29;
	v7 =	vld.idx.msk [tilespmem:v7+s3+$0x0], $0xffff;
	v8 =	vadd.s32 v1, v8  }
0x6d: {  	v8 =	vor.u32 v9, v8;
	_ =	sdelay $0x3  }
0x6e: {  	v32 =	vld [tilespmem:$0x5C0];
	[tilespmem:$0x7A0] =	vst v7;
	v7 =	vand.u32 $0xFFFFFFF8, v30  }
0x6f: {  	v31 =	vand.u32 $0x7, v30;
	v8 =	vld.idx.msk [tilespmem:v8+s3+$0x0], $0xffff;
	v7 =	vadd.s32 v1, v7  }
0x70: {  	v7 =	vor.u32 v31, v7;
	_ =	sdelay $0x3  }
0x71: {  	v33 =	vld [tilespmem:$0x5D0];
	[tilespmem:$0x7B0] =	vst v8;
	v8 =	vand.u32 $0xFFFFFFF8, v32  }
0x72: {  	v9 =	vand.u32 $0x7, v32;
	v7 =	vld.idx.msk [tilespmem:v7+s3+$0x0], $0xffff;
	v8 =	vadd.s32 v1, v8  }
0x73: {  	v8 =	vor.u32 v9, v8;
	_ =	sdelay $0x3  }
0x74: {  	v35 =	vld [tilespmem:$0x5E0];
	[tilespmem:$0x7C0] =	vst v7;
	v7 =	vand.u32 $0xFFFFFFF8, v33  }
0x75: {  	v34 =	vand.u32 $0x7, v33;
	v8 =	vld.idx.msk [tilespmem:v8+s3+$0x0], $0xffff;
	v7 =	vadd.s32 v1, v7  }
0x76: {  	v7 =	vor.u32 v34, v7;
	_ =	sdelay $0x3  }
0x77: {  	v36 =	vld [tilespmem:$0x5F0];
	[tilespmem:$0x7D0] =	vst v8;
	v8 =	vand.u32 $0xFFFFFFF8, v35  }
0x78: {  	v9 =	vand.u32 $0x7, v35;
	v7 =	vld.idx.msk [tilespmem:v7+s3+$0x0], $0xffff;
	v8 =	vadd.s32 v1, v8  }
0x79: {  	v8 =	vor.u32 v9, v8;
	_ =	sdelay $0x3  }
0x7a: {  	v38 =	vld [tilespmem:$0x500];
	[tilespmem:$0x7E0] =	vst v7;
	v7 =	vand.u32 $0xFFFFFFF8, v36  }
0x7b: {  	v37 =	vand.u32 $0x7, v36;
	v8 =	vld.idx.msk [tilespmem:v8+s3+$0x0], $0xffff;
	v7 =	vadd.s32 v1, v7  }
0x7c: {  	v7 =	vor.u32 v37, v7;
	_ =	sdelay $0x3  }
0x7d: {  	v39 =	vld [tilespmem:$0x510];
	[tilespmem:$0x7F0] =	vst v8;
	v8 =	vand.u32 $0xFFFFFFF8, v38  }
0x7e: {  	v9 =	vand.u32 $0x7, v38;
	v7 =	vld.idx.msk [tilespmem:v7+s3+$0x0], $0xffff;
	v8 =	vadd.s32 v2, v8  }
0x7f: {  	v8 =	vor.u32 v9, v8;
	_ =	sdelay $0x3  }
0x80: {  	v41 =	vld [tilespmem:$0x520];
	[tilespmem:$0x800] =	vst v7;
	v7 =	vand.u32 $0xFFFFFFF8, v39  }
0x81: {  	v40 =	vand.u32 $0x7, v39;
	v8 =	vld.idx.msk [tilespmem:v8+s3+$0x0], $0xffff;
	v7 =	vadd.s32 v2, v7  }
0x82: {  	v7 =	vor.u32 v40, v7;
	_ =	sdelay $0x3  }
0x83: {  	v42 =	vld [tilespmem:$0x530];
	[tilespmem:$0x810] =	vst v8;
	v8 =	vand.u32 $0xFFFFFFF8, v41  }
0x84: {  	v9 =	vand.u32 $0x7, v41;
	v7 =	vld.idx.msk [tilespmem:v7+s3+$0x0], $0xffff;
	v8 =	vadd.s32 v2, v8  }
0x85: {  	v8 =	vor.u32 v9, v8;
	_ =	sdelay $0x3  }
0x86: {  	v44 =	vld [tilespmem:$0x540];
	[tilespmem:$0x820] =	vst v7;
	v7 =	vand.u32 $0xFFFFFFF8, v42  }
0x87: {  	v43 =	vand.u32 $0x7, v42;
	v8 =	vld.idx.msk [tilespmem:v8+s3+$0x0], $0xffff;
	v7 =	vadd.s32 v2, v7  }
0x88: {  	v7 =	vor.u32 v43, v7;
	_ =	sdelay $0x3  }
0x89: {  	v45 =	vld [tilespmem:$0x550];
	[tilespmem:$0x830] =	vst v8;
	v8 =	vand.u32 $0xFFFFFFF8, v44  }
0x8a: {  	v9 =	vand.u32 $0x7, v44;
	v7 =	vld.idx.msk [tilespmem:v7+s3+$0x0], $0xffff;
	v8 =	vadd.s32 v2, v8  }
0x8b: {  	v8 =	vor.u32 v9, v8;
	_ =	sdelay $0x3  }
0x8c: {  	v47 =	vld [tilespmem:$0x560];
	[tilespmem:$0x840] =	vst v7;
	v7 =	vand.u32 $0xFFFFFFF8, v45  }
0x8d: {  	v46 =	vand.u32 $0x7, v45;
	v8 =	vld.idx.msk [tilespmem:v8+s3+$0x0], $0xffff;
	v7 =	vadd.s32 v2, v7  }
0x8e: {  	v7 =	vor.u32 v46, v7;
	_ =	sdelay $0x3  }
0x8f: {  	v48 =	vld [tilespmem:$0x570];
	[tilespmem:$0x850] =	vst v8;
	v8 =	vand.u32 $0xFFFFFFF8, v47  }
0x90: {  	v9 =	vand.u32 $0x7, v47;
	v7 =	vld.idx.msk [tilespmem:v7+s3+$0x0], $0xffff;
	v8 =	vadd.s32 v2, v8  }
0x91: {  	v8 =	vor.u32 v9, v8;
	_ =	sdelay $0x3  }
0x92: {  	v50 =	vld [tilespmem:$0x580];
	[tilespmem:$0x860] =	vst v7;
	v7 =	vand.u32 $0xFFFFFFF8, v48  }
0x93: {  	v49 =	vand.u32 $0x7, v48;
	v8 =	vld.idx.msk [tilespmem:v8+s3+$0x0], $0xffff;
	v7 =	vadd.s32 v2, v7  }
0x94: {  	v7 =	vor.u32 v49, v7;
	_ =	sdelay $0x3  }
0x95: {  	v51 =	vld [tilespmem:$0x590];
	[tilespmem:$0x870] =	vst v8;
	v8 =	vand.u32 $0xFFFFFFF8, v50  }
0x96: {  	v9 =	vand.u32 $0x7, v50;
	v7 =	vld.idx.msk [tilespmem:v7+s3+$0x0], $0xffff;
	v8 =	vadd.s32 v2, v8  }
0x97: {  	v8 =	vor.u32 v9, v8;
	_ =	sdelay $0x3  }
0x98: {  	v53 =	vld [tilespmem:$0x5A0];
	[tilespmem:$0x880] =	vst v7;
	v7 =	vand.u32 $0xFFFFFFF8, v51  }
0x99: {  	v52 =	vand.u32 $0x7, v51;
	v8 =	vld.idx.msk [tilespmem:v8+s3+$0x0], $0xffff;
	v7 =	vadd.s32 v2, v7  }
0x9a: {  	v7 =	vor.u32 v52, v7;
	_ =	sdelay $0x3  }
0x9b: {  	v54 =	vld [tilespmem:$0x5B0];
	[tilespmem:$0x890] =	vst v8;
	v8 =	vand.u32 $0xFFFFFFF8, v53  }
0x9c: {  	v9 =	vand.u32 $0x7, v53;
	v7 =	vld.idx.msk [tilespmem:v7+s3+$0x0], $0xffff;
	v8 =	vadd.s32 v2, v8  }
0x9d: {  	v8 =	vor.u32 v9, v8;
	_ =	sdelay $0x3  }
0x9e: {  	v56 =	vld [tilespmem:$0x5C0];
	[tilespmem:$0x8A0] =	vst v7;
	v7 =	vand.u32 $0xFFFFFFF8, v54  }
0x9f: {  	v55 =	vand.u32 $0x7, v54;
	v8 =	vld.idx.msk [tilespmem:v8+s3+$0x0], $0xffff;
	v7 =	vadd.s32 v2, v7  }
0xa0: {  	v7 =	vor.u32 v55, v7;
	_ =	sdelay $0x3  }
0xa1: {  	v57 =	vld [tilespmem:$0x5D0];
	[tilespmem:$0x8B0] =	vst v8;
	v8 =	vand.u32 $0xFFFFFFF8, v56  }
0xa2: {  	v9 =	vand.u32 $0x7, v56;
	v7 =	vld.idx.msk [tilespmem:v7+s3+$0x0], $0xffff;
	v8 =	vadd.s32 v2, v8  }
0xa3: {  	v8 =	vor.u32 v9, v8;
	_ =	sdelay $0x3  }
0xa4: {  	v59 =	vld [tilespmem:$0x5E0];
	[tilespmem:$0x8C0] =	vst v7;
	v7 =	vand.u32 $0xFFFFFFF8, v57  }
0xa5: {  	v58 =	vand.u32 $0x7, v57;
	v8 =	vld.idx.msk [tilespmem:v8+s3+$0x0], $0xffff;
	v7 =	vadd.s32 v2, v7  }
0xa6: {  	v7 =	vor.u32 v58, v7;
	_ =	sdelay $0x3  }
0xa7: {  	v60 =	vld [tilespmem:$0x5F0];
	[tilespmem:$0x8D0] =	vst v8;
	v8 =	vand.u32 $0xFFFFFFF8, v59  }
0xa8: {  	v9 =	vand.u32 $0x7, v59;
	v7 =	vld.idx.msk [tilespmem:v7+s3+$0x0], $0xffff;
	v8 =	vadd.s32 v2, v8  }
0xa9: {  	v8 =	vor.u32 v9, v8;
	_ =	sdelay $0x3  }
0xaa: {  	v62 =	vld [tilespmem:$0x500];
	[tilespmem:$0x8E0] =	vst v7;
	v7 =	vand.u32 $0xFFFFFFF8, v60  }
0xab: {  	v61 =	vand.u32 $0x7, v60;
	v8 =	vld.idx.msk [tilespmem:v8+s3+$0x0], $0xffff;
	v7 =	vadd.s32 v2, v7  }
0xac: {  	v7 =	vor.u32 v61, v7;
	_ =	sdelay $0x3  }
0xad: {  	v63 =	vld [tilespmem:$0x510];
	[tilespmem:$0x8F0] =	vst v8;
	v8 =	vand.u32 $0xFFFFFFF8, v62  }
0xae: {  	v9 =	vand.u32 $0x7, v62;
	v7 =	vld.idx.msk [tilespmem:v7+s3+$0x0], $0xffff;
	v8 =	vadd.s32 v4, v8  }
0xaf: {  	v8 =	vor.u32 v9, v8;
	_ =	sdelay $0x3  }
0xb0: {  	v13 =	vld [tilespmem:$0x520];
	[tilespmem:$0x900] =	vst v7;
	v7 =	vand.u32 $0xFFFFFFF8, v63  }
0xb1: {  	v12 =	vand.u32 $0x7, v63;
	v8 =	vld.idx.msk [tilespmem:v8+s3+$0x0], $0xffff;
	v7 =	vadd.s32 v4, v7  }
0xb2: {  	v7 =	vor.u32 v12, v7;
	_ =	sdelay $0x3  }
0xb3: {  	v14 =	vld [tilespmem:$0x530];
	[tilespmem:$0x910] =	vst v8;
	v8 =	vand.u32 $0xFFFFFFF8, v13  }
0xb4: {  	v9 =	vand.u32 $0x7, v13;
	v7 =	vld.idx.msk [tilespmem:v7+s3+$0x0], $0xffff;
	v8 =	vadd.s32 v4, v8  }
0xb5: {  	v8 =	vor.u32 v9, v8;
	_ =	sdelay $0x3  }
0xb6: {  	v16 =	vld [tilespmem:$0x540];
	[tilespmem:$0x920] =	vst v7;
	v7 =	vand.u32 $0xFFFFFFF8, v14  }
0xb7: {  	v15 =	vand.u32 $0x7, v14;
	v8 =	vld.idx.msk [tilespmem:v8+s3+$0x0], $0xffff;
	v7 =	vadd.s32 v4, v7  }
0xb8: {  	v7 =	vor.u32 v15, v7;
	_ =	sdelay $0x3  }
0xb9: {  	v17 =	vld [tilespmem:$0x550];
	[tilespmem:$0x930] =	vst v8;
	v8 =	vand.u32 $0xFFFFFFF8, v16  }
0xba: {  	v9 =	vand.u32 $0x7, v16;
	v7 =	vld.idx.msk [tilespmem:v7+s3+$0x0], $0xffff;
	v8 =	vadd.s32 v4, v8  }
0xbb: {  	v8 =	vor.u32 v9, v8;
	_ =	sdelay $0x3  }
0xbc: {  	v19 =	vld [tilespmem:$0x560];
	[tilespmem:$0x940] =	vst v7;
	v7 =	vand.u32 $0xFFFFFFF8, v17  }
0xbd: {  	v18 =	vand.u32 $0x7, v17;
	v8 =	vld.idx.msk [tilespmem:v8+s3+$0x0], $0xffff;
	v7 =	vadd.s32 v4, v7  }
0xbe: {  	v7 =	vor.u32 v18, v7;
	_ =	sdelay $0x3  }
0xbf: {  	v20 =	vld [tilespmem:$0x570];
	[tilespmem:$0x950] =	vst v8;
	v8 =	vand.u32 $0xFFFFFFF8, v19  }
0xc0: {  	v9 =	vand.u32 $0x7, v19;
	v7 =	vld.idx.msk [tilespmem:v7+s3+$0x0], $0xffff;
	v8 =	vadd.s32 v4, v8  }
0xc1: {  	v8 =	vor.u32 v9, v8;
	_ =	sdelay $0x3  }
0xc2: {  	v22 =	vld [tilespmem:$0x580];
	[tilespmem:$0x960] =	vst v7;
	v7 =	vand.u32 $0xFFFFFFF8, v20  }
0xc3: {  	v21 =	vand.u32 $0x7, v20;
	v8 =	vld.idx.msk [tilespmem:v8+s3+$0x0], $0xffff;
	v7 =	vadd.s32 v4, v7  }
0xc4: {  	v7 =	vor.u32 v21, v7;
	_ =	sdelay $0x3  }
0xc5: {  	v23 =	vld [tilespmem:$0x590];
	[tilespmem:$0x970] =	vst v8;
	v8 =	vand.u32 $0xFFFFFFF8, v22  }
0xc6: {  	v9 =	vand.u32 $0x7, v22;
	v7 =	vld.idx.msk [tilespmem:v7+s3+$0x0], $0xffff;
	v8 =	vadd.s32 v4, v8  }
0xc7: {  	v8 =	vor.u32 v9, v8;
	_ =	sdelay $0x3  }
0xc8: {  	v25 =	vld [tilespmem:$0x5A0];
	[tilespmem:$0x980] =	vst v7;
	v7 =	vand.u32 $0xFFFFFFF8, v23  }
0xc9: {  	v24 =	vand.u32 $0x7, v23;
	v8 =	vld.idx.msk [tilespmem:v8+s3+$0x0], $0xffff;
	v7 =	vadd.s32 v4, v7  }
0xca: {  	v7 =	vor.u32 v24, v7;
	_ =	sdelay $0x3  }
0xcb: {  	v26 =	vld [tilespmem:$0x5B0];
	[tilespmem:$0x990] =	vst v8;
	v8 =	vand.u32 $0xFFFFFFF8, v25  }
0xcc: {  	v9 =	vand.u32 $0x7, v25;
	v7 =	vld.idx.msk [tilespmem:v7+s3+$0x0], $0xffff;
	v8 =	vadd.s32 v4, v8  }
0xcd: {  	v8 =	vor.u32 v9, v8;
	_ =	sdelay $0x3  }
0xce: {  	v28 =	vld [tilespmem:$0x5C0];
	[tilespmem:$0x9A0] =	vst v7;
	v7 =	vand.u32 $0xFFFFFFF8, v26  }
0xcf: {  	v27 =	vand.u32 $0x7, v26;
	v8 =	vld.idx.msk [tilespmem:v8+s3+$0x0], $0xffff;
	v7 =	vadd.s32 v4, v7  }
0xd0: {  	v7 =	vor.u32 v27, v7;
	_ =	sdelay $0x3  }
0xd1: {  	v29 =	vld [tilespmem:$0x5D0];
	[tilespmem:$0x9B0] =	vst v8;
	v8 =	vand.u32 $0xFFFFFFF8, v28  }
0xd2: {  	v9 =	vand.u32 $0x7, v28;
	v7 =	vld.idx.msk [tilespmem:v7+s3+$0x0], $0xffff;
	v8 =	vadd.s32 v4, v8  }
0xd3: {  	v8 =	vor.u32 v9, v8;
	_ =	sdelay $0x3  }
0xd4: {  	v31 =	vld [tilespmem:$0x5E0];
	[tilespmem:$0x9C0] =	vst v7;
	v7 =	vand.u32 $0xFFFFFFF8, v29  }
0xd5: {  	v30 =	vand.u32 $0x7, v29;
	v8 =	vld.idx.msk [tilespmem:v8+s3+$0x0], $0xffff;
	v7 =	vadd.s32 v4, v7  }
0xd6: {  	v7 =	vor.u32 v30, v7;
	_ =	sdelay $0x3  }
0xd7: {  	v32 =	vld [tilespmem:$0x5F0];
	[tilespmem:$0x9D0] =	vst v8;
	v8 =	vand.u32 $0xFFFFFFF8, v31  }
0xd8: {  	v9 =	vand.u32 $0x7, v31;
	v7 =	vld.idx.msk [tilespmem:v7+s3+$0x0], $0xffff;
	v8 =	vadd.s32 v4, v8  }
0xd9: {  	v8 =	vor.u32 v9, v8;
	_ =	sdelay $0x3  }
0xda: {  	v34 =	vld [tilespmem:$0x500];
	[tilespmem:$0x9E0] =	vst v7;
	v7 =	vand.u32 $0xFFFFFFF8, v32  }
0xdb: {  	v33 =	vand.u32 $0x7, v32;
	v8 =	vld.idx.msk [tilespmem:v8+s3+$0x0], $0xffff;
	v7 =	vadd.s32 v4, v7  }
0xdc: {  	v7 =	vor.u32 v33, v7;
	_ =	sdelay $0x3  }
0xdd: {  	v35 =	vld [tilespmem:$0x510];
	[tilespmem:$0x9F0] =	vst v8;
	v8 =	vand.u32 $0xFFFFFFF8, v34  }
0xde: {  	v9 =	vand.u32 $0x7, v34;
	v7 =	vld.idx.msk [tilespmem:v7+s3+$0x0], $0xffff;
	v8 =	vadd.s32 v5, v8  }
0xdf: {  	v8 =	vor.u32 v9, v8;
	_ =	sdelay $0x3  }
0xe0: {  	v37 =	vld [tilespmem:$0x520];
	[tilespmem:$0xA00] =	vst v7;
	v7 =	vand.u32 $0xFFFFFFF8, v35  }
0xe1: {  	v36 =	vand.u32 $0x7, v35;
	v8 =	vld.idx.msk [tilespmem:v8+s3+$0x0], $0xffff;
	v7 =	vadd.s32 v5, v7  }
0xe2: {  	v7 =	vor.u32 v36, v7;
	_ =	sdelay $0x3  }
0xe3: {  	v38 =	vld [tilespmem:$0x530];
	[tilespmem:$0xA10] =	vst v8;
	v8 =	vand.u32 $0xFFFFFFF8, v37  }
0xe4: {  	v9 =	vand.u32 $0x7, v37;
	v7 =	vld.idx.msk [tilespmem:v7+s3+$0x0], $0xffff;
	v8 =	vadd.s32 v5, v8  }
0xe5: {  	v8 =	vor.u32 v9, v8;
	_ =	sdelay $0x3  }
0xe6: {  	v40 =	vld [tilespmem:$0x540];
	[tilespmem:$0xA20] =	vst v7;
	v7 =	vand.u32 $0xFFFFFFF8, v38  }
0xe7: {  	v39 =	vand.u32 $0x7, v38;
	v8 =	vld.idx.msk [tilespmem:v8+s3+$0x0], $0xffff;
	v7 =	vadd.s32 v5, v7  }
0xe8: {  	v7 =	vor.u32 v39, v7;
	_ =	sdelay $0x3  }
0xe9: {  	v41 =	vld [tilespmem:$0x550];
	[tilespmem:$0xA30] =	vst v8;
	v8 =	vand.u32 $0xFFFFFFF8, v40  }
0xea: {  	v9 =	vand.u32 $0x7, v40;
	v7 =	vld.idx.msk [tilespmem:v7+s3+$0x0], $0xffff;
	v8 =	vadd.s32 v5, v8  }
0xeb: {  	v8 =	vor.u32 v9, v8;
	_ =	sdelay $0x3  }
0xec: {  	v43 =	vld [tilespmem:$0x560];
	[tilespmem:$0xA40] =	vst v7;
	v7 =	vand.u32 $0xFFFFFFF8, v41  }
0xed: {  	v42 =	vand.u32 $0x7, v41;
	v8 =	vld.idx.msk [tilespmem:v8+s3+$0x0], $0xffff;
	v7 =	vadd.s32 v5, v7  }
0xee: {  	v7 =	vor.u32 v42, v7;
	_ =	sdelay $0x3  }
0xef: {  	v44 =	vld [tilespmem:$0x570];
	[tilespmem:$0xA50] =	vst v8;
	v8 =	vand.u32 $0xFFFFFFF8, v43  }
0xf0: {  	v9 =	vand.u32 $0x7, v43;
	v7 =	vld.idx.msk [tilespmem:v7+s3+$0x0], $0xffff;
	v8 =	vadd.s32 v5, v8  }
0xf1: {  	v8 =	vor.u32 v9, v8;
	_ =	sdelay $0x3  }
0xf2: {  	v46 =	vld [tilespmem:$0x580];
	[tilespmem:$0xA60] =	vst v7;
	v7 =	vand.u32 $0xFFFFFFF8, v44  }
0xf3: {  	v45 =	vand.u32 $0x7, v44;
	v8 =	vld.idx.msk [tilespmem:v8+s3+$0x0], $0xffff;
	v7 =	vadd.s32 v5, v7  }
0xf4: {  	v7 =	vor.u32 v45, v7;
	_ =	sdelay $0x3  }
0xf5: {  	v47 =	vld [tilespmem:$0x590];
	[tilespmem:$0xA70] =	vst v8;
	v8 =	vand.u32 $0xFFFFFFF8, v46  }
0xf6: {  	v9 =	vand.u32 $0x7, v46;
	v7 =	vld.idx.msk [tilespmem:v7+s3+$0x0], $0xffff;
	v8 =	vadd.s32 v5, v8  }
0xf7: {  	v8 =	vor.u32 v9, v8;
	_ =	sdelay $0x3  }
0xf8: {  	v49 =	vld [tilespmem:$0x5A0];
	[tilespmem:$0xA80] =	vst v7;
	v7 =	vand.u32 $0xFFFFFFF8, v47  }
0xf9: {  	v48 =	vand.u32 $0x7, v47;
	v8 =	vld.idx.msk [tilespmem:v8+s3+$0x0], $0xffff;
	v7 =	vadd.s32 v5, v7  }
0xfa: {  	v7 =	vor.u32 v48, v7;
	_ =	sdelay $0x3  }
0xfb: {  	v50 =	vld [tilespmem:$0x5B0];
	[tilespmem:$0xA90] =	vst v8;
	v8 =	vand.u32 $0xFFFFFFF8, v49  }
0xfc: {  	v9 =	vand.u32 $0x7, v49;
	v7 =	vld.idx.msk [tilespmem:v7+s3+$0x0], $0xffff;
	v8 =	vadd.s32 v5, v8  }
0xfd: {  	v8 =	vor.u32 v9, v8;
	_ =	sdelay $0x3  }
0xfe: {  	v52 =	vld [tilespmem:$0x5C0];
	[tilespmem:$0xAA0] =	vst v7;
	v7 =	vand.u32 $0xFFFFFFF8, v50  }
0xff: {  	v51 =	vand.u32 $0x7, v50;
	v8 =	vld.idx.msk [tilespmem:v8+s3+$0x0], $0xffff;
	v7 =	vadd.s32 v5, v7  }
0x100: {  	v7 =	vor.u32 v51, v7;
	_ =	sdelay $0x3  }
0x101: {  	v53 =	vld [tilespmem:$0x5D0];
	[tilespmem:$0xAB0] =	vst v8;
	v8 =	vand.u32 $0xFFFFFFF8, v52  }
0x102: {  	v9 =	vand.u32 $0x7, v52;
	v7 =	vld.idx.msk [tilespmem:v7+s3+$0x0], $0xffff;
	v8 =	vadd.s32 v5, v8  }
0x103: {  	v8 =	vor.u32 v9, v8;
	_ =	sdelay $0x3  }
0x104: {  	v55 =	vld [tilespmem:$0x5E0];
	[tilespmem:$0xAC0] =	vst v7;
	v7 =	vand.u32 $0xFFFFFFF8, v53  }
0x105: {  	v54 =	vand.u32 $0x7, v53;
	v8 =	vld.idx.msk [tilespmem:v8+s3+$0x0], $0xffff;
	v7 =	vadd.s32 v5, v7  }
0x106: {  	v7 =	vor.u32 v54, v7;
	_ =	sdelay $0x3  }
0x107: {  	v56 =	vld [tilespmem:$0x5F0];
	[tilespmem:$0xAD0] =	vst v8;
	v8 =	vand.u32 $0xFFFFFFF8, v55  }
0x108: {  	v9 =	vand.u32 $0x7, v55;
	v7 =	vld.idx.msk [tilespmem:v7+s3+$0x0], $0xffff;
	v8 =	vadd.s32 v5, v8  }
0x109: {  	v8 =	vor.u32 v9, v8;
	_ =	sdelay $0x3  }
0x10a: {  	[tilespmem:$0xAE0] =	vst v7;
	v7 =	vand.u32 $0xFFFFFFF8, v56  }
0x10b: {  	v57 =	vand.u32 $0x7, v56;
	v8 =	vld.idx.msk [tilespmem:v8+s3+$0x0], $0xffff;
	v7 =	vadd.s32 v5, v7  }
0x10c: {  	v7 =	vor.u32 v57, v7;
	_ =	sdelay $0x3  }
0x10d: {  	[tilespmem:$0xAF0] =	vst v8  }
0x10e: {  	v7 =	vld.idx.msk [tilespmem:v7+s3+$0x0], $0xffff;
	_ =	sdelay $0x4  }
0x10f: {  	[tilespmem:$0xB00] =	vst v7  }
0x110: {  	[spmem:s5] =	stream.linear.scatter [tilespmem:s10], [sflag:$0x9], $0x800, $0x38;
	[tilespmem:$0x11810] =	vst v63  }
0x111: {  	_ =	swait.ge [sflag:s9], $0x800  }
0x112: {  	[sflag:s9] =	ssyncset.done $0x0  }
0x113: {  	[sflag:s9] =	ssyncadd.s32 $0xFFFFF800  }
0x114: {  	v7 =	vld [tilespmem:$0x500]  }
0x115: {  	v8 =	vld [tilespmem:$0x508]  }
0x116: {  	v58 =	vld [tilespmem:$0x510]  }
0x117: {  	v59 =	vld [tilespmem:$0x518]  }
0x118: {  	v11 =	vld [tilespmem:$0x520]  }
0x119: {  	v12 =	vld [tilespmem:$0x528];
	v7 =	vperm.xlane v7, v6  }
0x11a: {  	v13 =	vld [tilespmem:$0x530];
	v8 =	vperm.xlane v8, v6  }
0x11b: {  	v14 =	vld [tilespmem:$0x538];
	v9 =	vperm.xlane v58, v6;
	v7 =	vshll.u32 v7, $0x1  }
0x11c: {  	v15 =	vld [tilespmem:$0x540];
	v10 =	vperm.xlane v59, v6;
	v8 =	vshll.u32 v8, $0x1;
	v7 =	vadd.s32 v7, v3  }
0x11d: {  	v61 =	vld [tilespmem:$0x548];
	v60 =	vperm.xlane v11, v6;
	[tilespmem:$0xE10] =	vst v7;
	v7 =	vadd.s32 v8, v3;
	v8 =	vshll.u32 v9, $0x1  }
0x11e: {  	v63 =	vld [tilespmem:$0x550];
	v62 =	vperm.xlane v12, v6;
	[tilespmem:$0xE20] =	vst v7;
	v7 =	vadd.s32 v8, v3;
	v8 =	vshll.u32 v10, $0x1  }
0x11f: {  	v18 =	vld [tilespmem:$0x558];
	v17 =	vperm.xlane v13, v6;
	[tilespmem:$0xE30] =	vst v7;
	v7 =	vadd.s32 v8, v3;
	v8 =	vshll.u32 v60, $0x1  }
0x120: {  	v20 =	vld [tilespmem:$0x560];
	v19 =	vperm.xlane v14, v6;
	[tilespmem:$0xE40] =	vst v7;
	v7 =	vadd.s32 v8, v3;
	v8 =	vshll.u32 v62, $0x1  }
0x121: {  	v22 =	vld [tilespmem:$0x568];
	v21 =	vperm.xlane v15, v6;
	[tilespmem:$0xE50] =	vst v7;
	v7 =	vadd.s32 v8, v3;
	v8 =	vshll.u32 v17, $0x1  }
0x122: {  	v24 =	vld [tilespmem:$0x570];
	v23 =	vperm.xlane v61, v6;
	[tilespmem:$0xE60] =	vst v7;
	v7 =	vadd.s32 v8, v3;
	v8 =	vshll.u32 v19, $0x1  }
0x123: {  	v26 =	vld [tilespmem:$0x578];
	v25 =	vperm.xlane v63, v6;
	[tilespmem:$0xE70] =	vst v7;
	v7 =	vadd.s32 v8, v3;
	v8 =	vshll.u32 v21, $0x1  }
0x124: {  	v28 =	vld [tilespmem:$0x580];
	v27 =	vperm.xlane v18, v6;
	[tilespmem:$0xE80] =	vst v7;
	v7 =	vadd.s32 v8, v3;
	v8 =	vshll.u32 v23, $0x1  }
0x125: {  	v30 =	vld [tilespmem:$0x588];
	v29 =	vperm.xlane v20, v6;
	[tilespmem:$0xE90] =	vst v7;
	v7 =	vadd.s32 v8, v3;
	v8 =	vshll.u32 v25, $0x1  }
0x126: {  	v32 =	vld [tilespmem:$0x590];
	v31 =	vperm.xlane v22, v6;
	[tilespmem:$0xEA0] =	vst v7;
	v7 =	vadd.s32 v8, v3;
	v8 =	vshll.u32 v27, $0x1  }
0x127: {  	v34 =	vld [tilespmem:$0x598];
	v33 =	vperm.xlane v24, v6;
	[tilespmem:$0xEB0] =	vst v7;
	v7 =	vadd.s32 v8, v3;
	v8 =	vshll.u32 v29, $0x1  }
0x128: {  	v36 =	vld [tilespmem:$0x5A0];
	v35 =	vperm.xlane v26, v6;
	[tilespmem:$0xEC0] =	vst v7;
	v7 =	vadd.s32 v8, v3;
	v8 =	vshll.u32 v31, $0x1  }
0x129: {  	v38 =	vld [tilespmem:$0x5A8];
	v37 =	vperm.xlane v28, v6;
	[tilespmem:$0xED0] =	vst v7;
	v7 =	vadd.s32 v8, v3;
	v8 =	vshll.u32 v33, $0x1  }
0x12a: {  	v40 =	vld [tilespmem:$0x5B0];
	v39 =	vperm.xlane v30, v6;
	[tilespmem:$0xEE0] =	vst v7;
	v7 =	vadd.s32 v8, v3;
	v8 =	vshll.u32 v35, $0x1  }
0x12b: {  	v42 =	vld [tilespmem:$0x5B8];
	v41 =	vperm.xlane v32, v6;
	[tilespmem:$0xEF0] =	vst v7;
	v7 =	vadd.s32 v8, v3;
	v8 =	vshll.u32 v37, $0x1  }
0x12c: {  	v44 =	vld [tilespmem:$0x5C0];
	v43 =	vperm.xlane v34, v6;
	[tilespmem:$0xF00] =	vst v7;
	v7 =	vadd.s32 v8, v3;
	v8 =	vshll.u32 v39, $0x1  }
0x12d: {  	v46 =	vld [tilespmem:$0x5C8];
	v45 =	vperm.xlane v36, v6;
	[tilespmem:$0xF10] =	vst v7;
	v7 =	vadd.s32 v8, v3;
	v8 =	vshll.u32 v41, $0x1  }
0x12e: {  	v48 =	vld [tilespmem:$0x5D0];
	v47 =	vperm.xlane v38, v6;
	[tilespmem:$0xF20] =	vst v7;
	v7 =	vadd.s32 v8, v3;
	v8 =	vshll.u32 v43, $0x1  }
0x12f: {  	v50 =	vld [tilespmem:$0x5D8];
	v49 =	vperm.xlane v40, v6;
	[tilespmem:$0xF30] =	vst v7;
	v7 =	vadd.s32 v8, v3;
	v8 =	vshll.u32 v45, $0x1  }
0x130: {  	v52 =	vld [tilespmem:$0x5E0];
	v51 =	vperm.xlane v42, v6;
	[tilespmem:$0xF40] =	vst v7;
	v7 =	vadd.s32 v8, v3;
	v8 =	vshll.u32 v47, $0x1  }
0x131: {  	v54 =	vld [tilespmem:$0x5E8];
	v53 =	vperm.xlane v44, v6;
	[tilespmem:$0xF50] =	vst v7;
	v7 =	vadd.s32 v8, v3;
	v8 =	vshll.u32 v49, $0x1  }
0x132: {  	v56 =	vld [tilespmem:$0x5F0];
	v55 =	vperm.xlane v46, v6;
	[tilespmem:$0xF60] =	vst v7;
	v7 =	vadd.s32 v8, v3;
	v8 =	vshll.u32 v51, $0x1  }
0x133: {  	v57 =	vperm.xlane v48, v6;
	v58 =	vld [tilespmem:$0x5F8];
	[tilespmem:$0xF70] =	vst v7;
	v7 =	vadd.s32 v8, v3;
	v8 =	vshll.u32 v53, $0x1  }
0x134: {  	v59 =	vperm.xlane v50, v6;
	[tilespmem:$0xF80] =	vst v7;
	v7 =	vadd.s32 v8, v3;
	v8 =	vshll.u32 v55, $0x1  }
0x135: {  	v60 =	vperm.xlane v52, v6;
	[tilespmem:$0xF90] =	vst v7;
	v7 =	vadd.s32 v8, v3;
	v8 =	vshll.u32 v57, $0x1  }
0x136: {  	v61 =	vperm.xlane v54, v6;
	[tilespmem:$0xFA0] =	vst v7;
	v7 =	vadd.s32 v8, v3;
	v8 =	vshll.u32 v59, $0x1  }
0x137: {  	v62 =	vperm.xlane v56, v6;
	[tilespmem:$0xFB0] =	vst v7;
	v7 =	vadd.s32 v8, v3;
	v8 =	vshll.u32 v60, $0x1  }
0x138: {  	v63 =	vperm.xlane v58, v6;
	[tilespmem:$0xFC0] =	vst v7;
	v7 =	vadd.s32 v8, v3;
	v8 =	vshll.u32 v61, $0x1  }
0x139: {  	[tilespmem:$0xFD0] =	vst v7;
	v7 =	vadd.s32 v8, v3;
	v8 =	vshll.u32 v62, $0x1  }
0x13a: {  	[tilespmem:$0xFE0] =	vst v7;
	v7 =	vadd.s32 v8, v3;
	v8 =	vshll.u32 v63, $0x1  }
0x13b: {  	[tilespmem:$0xFF0] =	vst v7;
	v7 =	vadd.s32 v8, v3  }
0x13c: {  	[tilespmem:$0x1000] =	vst v7  }
0x13d: {  	[tilespmem:s13], [sflag:$0x1] =	stream.indirect.gather [spmem:s2], $0x80, s12, s11, $0xb8;
	[tilespmem:$0x11810] =	vst v63  }
0x13e: {  	_ = 	snop  }
0x13f: {  	[tilespmem:s15], [sflag:$0x2] =	stream.indirect.gather [spmem:s2], $0x80, s14, s11, $0xb8;
	[tilespmem:$0x11810] =	vst v63  }
0x140: {  	_ = 	snop  }
0x141: {  	[tilespmem:s17], [sflag:$0x3] =	stream.indirect.gather [spmem:s2], $0x80, s16, s11, $0xb8;
	[tilespmem:$0x11810] =	vst v63  }
0x142: {  	_ = 	snop  }
0x143: {  	[tilespmem:s19], [sflag:$0x4] =	stream.indirect.gather [spmem:s2], $0x80, s18, s11, $0xb8;
	[tilespmem:$0x11810] =	vst v63  }
0x144: {  	_ =	swait.ge [sflag:s20], $0x4000  }
0x145: {  	[sflag:s20] =	ssyncset.done $0x0  }
0x146: {  	[sflag:s20] =	ssyncadd.s32 $0xFFFFC000  }
0x147: {  	[hbm4b:s6+s3] =	stream.linear.scatter [tilespmem:s13], [sflag:$0x5], $0x4000, $0x38;
	[tilespmem:$0x11810] =	vst v63  }
0x148: {  	_ =	swait.ge [sflag:s21], $0x4000  }
0x149: {  	[sflag:s21] =	ssyncset.done $0x0  }
0x14a: {  	[sflag:s21] =	ssyncadd.s32 $0xFFFFC000  }
0x14b: {  	[hbm4b:s22+s3] =	stream.linear.scatter [tilespmem:s15], [sflag:$0x6], $0x4000, $0x38;
	[tilespmem:$0x11810] =	vst v63  }
0x14c: {  	_ =	swait.ge [sflag:s23], $0x4000  }
0x14d: {  	[sflag:s23] =	ssyncset.done $0x0  }
0x14e: {  	[sflag:s23] =	ssyncadd.s32 $0xFFFFC000  }
0x14f: {  	[hbm4b:s24+s3] =	stream.linear.scatter [tilespmem:s17], [sflag:$0x7], $0x4000, $0x38;
	[tilespmem:$0x11810] =	vst v63  }
0x150: {  	_ =	swait.ge [sflag:s25], $0x4000  }
0x151: {  	[sflag:s25] =	ssyncset.done $0x0  }
0x152: {  	[sflag:s25] =	ssyncadd.s32 $0xFFFFC000  }
0x153: {  	[hbm4b:s26+s3] =	stream.linear.scatter [tilespmem:s19], [sflag:$0x8], $0x4000, $0x38;
	[tilespmem:$0x11810] =	vst v63  }
0x154: {  	_ =	swait.ge [sflag:s28], $0x4000  }
0x155: {  	[sflag:s28] =	ssyncset.done $0x0  }
0x156: {  	[sflag:s28] =	ssyncadd.s32 $0xFFFFC000  }
0x157: {  	_ =	swait.ge [sflag:s29], $0x4000  }
0x158: {  	[sflag:s29] =	ssyncset.done $0x0  }
0x159: {  	[sflag:s29] =	ssyncadd.s32 $0xFFFFC000  }
0x15a: {  	p0 =	sne.s32 s7, $0x1;
	_ =	swait.ge [sflag:s30], $0x4000  }
.Ltmp0:
0x15b: {  	[sflag:s30] =	ssyncset.done $0x0;
	(pc) =	sbr.rel @p0 .LBB2_1-.Ltmp0, $4  }
0x15c: {  	[sflag:s30] =	ssyncadd.s32 $0xFFFFC000  }
0x15d: {  	_ =	swait.ge [sflag:s31], $0x4000  }
0x15e: {  	[sflag:s31] =	ssyncset.done $0x0  }
0x15f: {  	s7 =	sadd.s32 $0xFFFFFFFF, s7;
	[sflag:s31] =	ssyncadd.s32 $0xFFFFC000  }
0x160: {  	_ =	sfence.sel $0x180000  }
0x161: {  	[bflag:$0x0] =	sbarrier.arrive $0xFFFF  }
0x162: {  	_ =	strace $0x90000047  }
0x163: {  	[bflag:$0x2] =	sbarrier.arrive $0xFFFF  }
0x164: {  	p0 =	sne.s32 s4, $0x0;
	s0 =	rddreg [dreg:$0x4]  }
0x165: {  	s0 =	sadd.s32 @!p0 $0x100000, s0  }
0x166: {  	[sflag:s0] =	ssyncadd.tile.s32 @!p0 $0x1;
	_ =	shalt  }
.Lfunc_end2:
_tile_overlayer_lowered:
.L_overlay_start_2:
0x167: {  	(tag) =	ssettag $0x2  }
0x168: {  	s0 =	rddreg [dreg:$0x0];
	s2 =	stileid.u32  }
0x169: {  	s1 =	rddreg [dreg:$0x1];
	p0 =	sne.s32 s2, $0x0  }
0x16a: {  	s3 =	rddreg [dreg:$0x2];
	[bflag:$0x3] =	sbarrier.arrive $0xFFFF;
	s2 =	simm.s32 @!p0 $0x1C09  }
0x16b: {  	[timem:s3], [sflag:s2] =	dma.local @!p0 [hbm:s0], s1  }
0x16c: {  	s0 =	simm.s32 @!p0 $0x9  }
0x16d: {  	_ =	swait.ge @!p0 [sflag:s0], s1  }
0x16e: {  	s1 =	ssub.s32 @!p0 $0x0, s1;
	[sflag:s0] =	ssyncset.done @!p0 $0x0  }
0x16f: {  	[sflag:s0] =	ssyncadd.s32 @!p0 s1  }
0x170: {  	[bflag:$0x3] =	sbarrier.arrive $0xFFFF  }
0x171: {  	_ =	shalt  }

</sc_bundles>
